<compile_context>
chip_gen: v7x
topology: tpu7x:2x2x1
jax: 0.10.2.dev20260603
libtpu: 0.0.44.dev20260713+nightly
codegen_flags: <defaults>
</compile_context>

<pallas_src>
import dataclasses
import functools

import jax
import jax.numpy as jnp
from jax import lax
from jax.experimental import pallas as pl
from jax.experimental.pallas import tpu as pltpu
from jax.experimental.pallas import tpu_sc as plsc

NUM_CORES = 2
NUM_SUBCORES = 16
NUM_WORKERS = NUM_CORES * NUM_SUBCORES
LANES = 16


def _score_sc(x, src, dst, n_edges, d_feat):
    e_per_w = n_edges // NUM_WORKERS
    chunk = 80
    n_chunks = e_per_w // chunk
    n_fvec = d_feat // LANES

    mesh = plsc.VectorSubcoreMesh(core_axis_name="c", subcore_axis_name="s")

    cp = pltpu.CompilerParams()
    if "needs_layout_passes" in pltpu.CompilerParams.__dataclass_fields__:
        cp = dataclasses.replace(cp, needs_layout_passes=False)

    @functools.partial(
        pl.kernel,
        compiler_params=cp,
        out_type=jax.ShapeDtypeStruct((n_edges,), jnp.float32),
        mesh=mesh,
        scratch_types=[
            pltpu.VMEM((e_per_w,), jnp.int32),
            pltpu.VMEM((e_per_w,), jnp.int32),
            pltpu.VMEM((chunk, d_feat), jnp.float32),
            pltpu.VMEM((chunk, d_feat), jnp.float32),
            pltpu.VMEM((chunk, d_feat), jnp.float32),
            pltpu.VMEM((chunk, d_feat), jnp.float32),
            pltpu.VMEM((chunk,), jnp.float32),
            pltpu.VMEM((chunk,), jnp.float32),
            pltpu.SemaphoreType.DMA,
            pltpu.SemaphoreType.DMA,
        ],
    )
    def sc_kernel(x_hbm, src_hbm, dst_hbm, out_hbm, sidx, didx,
                  u0, v0, u1, v1, s0, s1, sem0, sem1):
        wid = lax.axis_index("s") * NUM_CORES + lax.axis_index("c")
        base = wid * e_per_w
        pltpu.sync_copy(src_hbm.at[pl.ds(base, e_per_w)], sidx)
        pltpu.sync_copy(dst_hbm.at[pl.ds(base, e_per_w)], didx)

        lane_iota = lax.broadcasted_iota(jnp.int32, (LANES,), 0)

        def fire(ci, u, v, sem):
            off = ci * chunk
            pltpu.async_copy(x_hbm.at[sidx.at[pl.ds(off, chunk)]], u, sem)
            pltpu.async_copy(x_hbm.at[didx.at[pl.ds(off, chunk)]], v, sem)

        def drain(u, v, sem):
            pltpu.make_async_copy(x_hbm.at[sidx.at[pl.ds(0, chunk)]], u,
                                  sem).wait()
            pltpu.make_async_copy(x_hbm.at[didx.at[pl.ds(0, chunk)]], v,
                                  sem).wait()

        def row_dot(u, v, r):
            acc = u[r, pl.ds(0, LANES)] * v[r, pl.ds(0, LANES)]
            for c in range(1, n_fvec):
                acc = acc + (u[r, pl.ds(c * LANES, LANES)] *
                             v[r, pl.ds(c * LANES, LANES)])
            return jnp.sum(acc)

        def compute(ci, u, v, s):
            @pl.loop(0, chunk // LANES)
            def _group_body(g):
                def row_body(j, vec):
                    r = g * LANES + 2 * j
                    d0 = row_dot(u, v, r)
                    d1 = row_dot(u, v, r + 1)
                    vec = jnp.where(lane_iota == 2 * j, d0, vec)
                    return jnp.where(lane_iota == 2 * j + 1, d1, vec)

                s[pl.ds(g * LANES, LANES)] = lax.fori_loop(
                    0, LANES // 2, row_body, jnp.zeros((LANES,), jnp.float32))

            pltpu.sync_copy(s, out_hbm.at[pl.ds(base + ci * chunk, chunk)])

        fire(0, u0, v0, sem0)

        @pl.loop(0, n_chunks - 1, step=2)
        def _chunk_body(i):
            fire(i + 1, u1, v1, sem1)
            drain(u0, v0, sem0)
            compute(i, u0, v0, s0)
            fire(i + 2, u0, v0, sem0)
            drain(u1, v1, sem1)
            compute(i + 1, u1, v1, s1)

        drain(u0, v0, sem0)
        compute(n_chunks - 1, u0, v0, s0)

    return sc_kernel(x, src, dst)


def kernel(x, edge_index):
    n_edges = edge_index.shape[1]
    d_feat = x.shape[1]
    src = edge_index[0]
    dst = edge_index[1]
    score = _score_sc(x, src, dst, n_edges, d_feat)
    return score.reshape(n_edges, 1)

# --- scband reference (transcript-rebuilt; emitter-appended) ---
"""Pipeline reference for scband-score-predictor-4252017623762 (READ-ONLY COPY).

The authoritative reference and input builder live on the scoring server;
editing this copy changes nothing except your own understanding.
"""

import jax, jax.numpy as jnp
import numpy as np

N_NODES = 10000
N_EDGES = 320000
D_FEAT = 128


def setup_inputs(seed: int = 0) -> dict:
    key = jax.random.key(seed)
    k1, k2 = jax.random.split(key)
    x = jax.random.normal(k1, (N_NODES, D_FEAT), dtype=jnp.float32)
    edge_index = jax.random.randint(k2, (2, N_EDGES), 0, N_NODES, dtype=jnp.int32)
    return {"x": x, "edge_index": edge_index}


def reference(x, edge_index):
    # DGL u_dot_v('x', 'x', 'score'): for each edge (u, v),
    # score = dot(x[u], x[v]) with trailing keepdim, shape [E, 1].
    src = edge_index[0]
    dst = edge_index[1]
    x_u = jnp.take(x, src, axis=0)   # gather source node features [E, d]
    x_v = jnp.take(x, dst, axis=0)   # gather destination node features [E, d]
    score = jnp.sum(x_u * x_v, axis=-1, keepdims=True)  # [E, 1]
    return score

if __name__ == "__main__":
    import jax
    _d = setup_inputs()
    print(jax.jit(kernel)(*tuple(_d.values())))

</pallas_src>

<mosaic_0001>
#map = affine_map<(d0, d1) -> (0, 0)>
#map1 = affine_map<(d0, d1) -> (0)>
module attributes {stable_mosaic.version = 14 : i64} {
  func.func @sc_kernel(%arg0: i32, %arg1: i32, %arg2: memref<10000x128xf32, #tpu.memory_space<hbm>>, %arg3: memref<320000xi32, #tpu.memory_space<hbm>>, %arg4: memref<320000xi32, #tpu.memory_space<hbm>>, %arg5: memref<320000xf32, #tpu.memory_space<hbm>>, %arg6: memref<10000xi32, #tpu.memory_space<vmem>>, %arg7: memref<10000xi32, #tpu.memory_space<vmem>>, %arg8: memref<80x128xf32, #tpu.memory_space<vmem>>, %arg9: memref<80x128xf32, #tpu.memory_space<vmem>>, %arg10: memref<80x128xf32, #tpu.memory_space<vmem>>, %arg11: memref<80x128xf32, #tpu.memory_space<vmem>>, %arg12: memref<80xf32, #tpu.memory_space<vmem>>, %arg13: memref<80xf32, #tpu.memory_space<vmem>>, %arg14: memref<!tpu.dma_semaphore, #tpu.memory_space<semaphore_mem>>, %arg15: memref<!tpu.dma_semaphore, #tpu.memory_space<semaphore_mem>>) attributes {dimension_semantics = [#tpu.dimension_semantics<core_parallel>, #tpu.dimension_semantics<subcore_parallel>], iteration_bounds = array<i64: 2, 16>, scalar_prefetch = 0 : i64, scratch_operands = 10 : i64, tpu.core_type = #tpu.core_type<sc_vector_subcore>, window_params = [{transform_indices = #map}, {transform_indices = #map1}, {transform_indices = #map1}, {transform_indices = #map1}]} {
    %mul3A = arith.constant 2 : i32
    %mul3A_0 = arith.muli %arg1, %mul3A : i32
    %add3A = arith.addi %mul3A_0, %arg0 : i32
    %mul3A_1 = arith.constant 10000 : i32
    %mul3A_2 = arith.muli %add3A, %mul3A_1 : i32
    "tpu.region"() ({
      %run_scoped3A = tpu.sem_alloc : memref<!tpu.dma_semaphore, #tpu.memory_space<semaphore_mem>>
      %dma_start3A_32 = tpu.memref_slice %arg3[%mul3A_2] : memref<320000xi32, #tpu.memory_space<hbm>> -> memref<10000xi32, #tpu.memory_space<hbm>>
      %dma_start3A_33 = tpu.memref_slice %arg3[%mul3A_2] : memref<320000xi32, #tpu.memory_space<hbm>> -> memref<10000xi32, #tpu.memory_space<hbm>>
      tpu.enqueue_dma source(%dma_start3A_33 : memref<10000xi32, #tpu.memory_space<hbm>>) target(%arg6 : memref<10000xi32, #tpu.memory_space<vmem>>) target_semaphore(%run_scoped3A : memref<!tpu.dma_semaphore, #tpu.memory_space<semaphore_mem>>)
      %dma_wait3A_34 = tpu.memref_slice %arg3[%mul3A_2] : memref<320000xi32, #tpu.memory_space<hbm>> -> memref<10000xi32, #tpu.memory_space<hbm>>
      %dma_wait3A_35 = tpu.memref_slice %arg3[%mul3A_2] : memref<320000xi32, #tpu.memory_space<hbm>> -> memref<10000xi32, #tpu.memory_space<hbm>>
      tpu.wait_dma2 semaphore(%run_scoped3A : memref<!tpu.dma_semaphore, #tpu.memory_space<semaphore_mem>>) src(%dma_wait3A_35 : memref<10000xi32, #tpu.memory_space<hbm>>) dst(%arg6 : memref<10000xi32, #tpu.memory_space<vmem>>)
      tpu.yield
    }) : () -> ()
    "tpu.region"() ({
      %run_scoped3A = tpu.sem_alloc : memref<!tpu.dma_semaphore, #tpu.memory_space<semaphore_mem>>
      %dma_start3A_32 = tpu.memref_slice %arg4[%mul3A_2] : memref<320000xi32, #tpu.memory_space<hbm>> -> memref<10000xi32, #tpu.memory_space<hbm>>
      %dma_start3A_33 = tpu.memref_slice %arg4[%mul3A_2] : memref<320000xi32, #tpu.memory_space<hbm>> -> memref<10000xi32, #tpu.memory_space<hbm>>
      tpu.enqueue_dma source(%dma_start3A_33 : memref<10000xi32, #tpu.memory_space<hbm>>) target(%arg7 : memref<10000xi32, #tpu.memory_space<vmem>>) target_semaphore(%run_scoped3A : memref<!tpu.dma_semaphore, #tpu.memory_space<semaphore_mem>>)
      %dma_wait3A_34 = tpu.memref_slice %arg4[%mul3A_2] : memref<320000xi32, #tpu.memory_space<hbm>> -> memref<10000xi32, #tpu.memory_space<hbm>>
      %dma_wait3A_35 = tpu.memref_slice %arg4[%mul3A_2] : memref<320000xi32, #tpu.memory_space<hbm>> -> memref<10000xi32, #tpu.memory_space<hbm>>
      tpu.wait_dma2 semaphore(%run_scoped3A : memref<!tpu.dma_semaphore, #tpu.memory_space<semaphore_mem>>) src(%dma_wait3A_35 : memref<10000xi32, #tpu.memory_space<hbm>>) dst(%arg7 : memref<10000xi32, #tpu.memory_space<vmem>>)
      tpu.yield
    }) : () -> ()
    %iota3A = tpu.iota {dimensions = array<i32: 0>} : vector<16xi32>
    %dma_start3A = arith.constant 0 : i32
    %dma_start3A_3 = tpu.memref_slice %arg6[%dma_start3A] : memref<10000xi32, #tpu.memory_space<vmem>> -> memref<80xi32, #tpu.memory_space<vmem>>
    %dma_start3A_4 = arith.constant 0 : i32
    %dma_start3A_5 = arith.constant 0 : i32
    %dma_start3A_6 = tpu.memref_slice %arg2[%dma_start3A_4, %dma_start3A_5] : memref<10000x128xf32, #tpu.memory_space<hbm>> -> memref<10000x128xf32, #tpu.memory_space<hbm>>
    tpu.enqueue_indirect_dma source(%dma_start3A_6 : memref<10000x128xf32, #tpu.memory_space<hbm>>) target(%arg8 : memref<80x128xf32, #tpu.memory_space<vmem>>) offsets(%dma_start3A_3 : memref<80xi32, #tpu.memory_space<vmem>>) semaphore(%arg14 : memref<!tpu.dma_semaphore, #tpu.memory_space<semaphore_mem>>)
    %dma_start3A_7 = arith.constant 0 : i32
    %dma_start3A_8 = tpu.memref_slice %arg7[%dma_start3A_7] : memref<10000xi32, #tpu.memory_space<vmem>> -> memref<80xi32, #tpu.memory_space<vmem>>
    %dma_start3A_9 = arith.constant 0 : i32
    %dma_start3A_10 = arith.constant 0 : i32
    %dma_start3A_11 = tpu.memref_slice %arg2[%dma_start3A_9, %dma_start3A_10] : memref<10000x128xf32, #tpu.memory_space<hbm>> -> memref<10000x128xf32, #tpu.memory_space<hbm>>
    tpu.enqueue_indirect_dma source(%dma_start3A_11 : memref<10000x128xf32, #tpu.memory_space<hbm>>) target(%arg9 : memref<80x128xf32, #tpu.memory_space<vmem>>) offsets(%dma_start3A_8 : memref<80xi32, #tpu.memory_space<vmem>>) semaphore(%arg14 : memref<!tpu.dma_semaphore, #tpu.memory_space<semaphore_mem>>)
    %scan3A = arith.constant 0 : i32
    %scan3A_12 = arith.constant 62 : i32
    %scan3A_13 = arith.addi %scan3A, %scan3A_12 : i32
    %scan3A_14 = arith.constant 1 : i32
    scf.for %scan3A_32 = %scan3A to %scan3A_13 step %scan3A_14  : i32 {
      %mul3A_33 = arith.constant 2 : i32
      %mul3A_34 = arith.muli %scan3A_32, %mul3A_33 : i32
      %add3A_35 = arith.constant 0 : i32
      %add3A_36 = arith.addi %add3A_35, %mul3A_34 : i32
      %add3A_37 = arith.constant 1 : i32
      %add3A_38 = arith.addi %add3A_36, %add3A_37 : i32
      %mul3A_39 = arith.constant 80 : i32
      %mul3A_40 = arith.muli %add3A_38, %mul3A_39 : i32
      %dma_start3A_41 = tpu.memref_slice %arg6[%mul3A_40] : memref<10000xi32, #tpu.memory_space<vmem>> -> memref<80xi32, #tpu.memory_space<vmem>>
      %dma_start3A_42 = arith.constant 0 : i32
      %dma_start3A_43 = arith.constant 0 : i32
      %dma_start3A_44 = tpu.memref_slice %arg2[%dma_start3A_42, %dma_start3A_43] : memref<10000x128xf32, #tpu.memory_space<hbm>> -> memref<10000x128xf32, #tpu.memory_space<hbm>>
      tpu.enqueue_indirect_dma source(%dma_start3A_44 : memref<10000x128xf32, #tpu.memory_space<hbm>>) target(%arg10 : memref<80x128xf32, #tpu.memory_space<vmem>>) offsets(%dma_start3A_41 : memref<80xi32, #tpu.memory_space<vmem>>) semaphore(%arg15 : memref<!tpu.dma_semaphore, #tpu.memory_space<semaphore_mem>>)
      %dma_start3A_45 = tpu.memref_slice %arg7[%mul3A_40] : memref<10000xi32, #tpu.memory_space<vmem>> -> memref<80xi32, #tpu.memory_space<vmem>>
      %dma_start3A_46 = arith.constant 0 : i32
      %dma_start3A_47 = arith.constant 0 : i32
      %dma_start3A_48 = tpu.memref_slice %arg2[%dma_start3A_46, %dma_start3A_47] : memref<10000x128xf32, #tpu.memory_space<hbm>> -> memref<10000x128xf32, #tpu.memory_space<hbm>>
      tpu.enqueue_indirect_dma source(%dma_start3A_48 : memref<10000x128xf32, #tpu.memory_space<hbm>>) target(%arg11 : memref<80x128xf32, #tpu.memory_space<vmem>>) offsets(%dma_start3A_45 : memref<80xi32, #tpu.memory_space<vmem>>) semaphore(%arg15 : memref<!tpu.dma_semaphore, #tpu.memory_space<semaphore_mem>>)
      %dma_wait3A_49 = arith.constant 0 : i32
      %dma_wait3A_50 = tpu.memref_slice %arg6[%dma_wait3A_49] : memref<10000xi32, #tpu.memory_space<vmem>> -> memref<80xi32, #tpu.memory_space<vmem>>
      %dma_wait3A_51 = arith.constant 0 : i32
      %dma_wait3A_52 = arith.constant 0 : i32
      %dma_wait3A_53 = tpu.memref_slice %arg2[%dma_wait3A_51, %dma_wait3A_52] : memref<10000x128xf32, #tpu.memory_space<hbm>> -> memref<10000x128xf32, #tpu.memory_space<hbm>>
      tpu.wait_indirect_dma semaphore(%arg14 : memref<!tpu.dma_semaphore, #tpu.memory_space<semaphore_mem>>) src(%dma_wait3A_53 : memref<10000x128xf32, #tpu.memory_space<hbm>>) dst(%arg8 : memref<80x128xf32, #tpu.memory_space<vmem>>)
      %dma_wait3A_54 = arith.constant 0 : i32
      %dma_wait3A_55 = tpu.memref_slice %arg7[%dma_wait3A_54] : memref<10000xi32, #tpu.memory_space<vmem>> -> memref<80xi32, #tpu.memory_space<vmem>>
      %dma_wait3A_56 = arith.constant 0 : i32
      %dma_wait3A_57 = arith.constant 0 : i32
      %dma_wait3A_58 = tpu.memref_slice %arg2[%dma_wait3A_56, %dma_wait3A_57] : memref<10000x128xf32, #tpu.memory_space<hbm>> -> memref<10000x128xf32, #tpu.memory_space<hbm>>
      tpu.wait_indirect_dma semaphore(%arg14 : memref<!tpu.dma_semaphore, #tpu.memory_space<semaphore_mem>>) src(%dma_wait3A_58 : memref<10000x128xf32, #tpu.memory_space<hbm>>) dst(%arg9 : memref<80x128xf32, #tpu.memory_space<vmem>>)
      %scan3A_59 = arith.constant 0 : i32
      %scan3A_60 = arith.constant 5 : i32
      %scan3A_61 = arith.addi %scan3A_59, %scan3A_60 : i32
      %scan3A_62 = arith.constant 1 : i32
      scf.for %scan3A_99 = %scan3A_59 to %scan3A_61 step %scan3A_62  : i32 {
        %mul3A_100 = arith.constant 1 : i32
        %mul3A_101 = arith.muli %scan3A_99, %mul3A_100 : i32
        %add3A_102 = arith.constant 0 : i32
        %add3A_103 = arith.addi %add3A_102, %mul3A_101 : i32
        %broadcast_in_dim3A = arith.constant 0.000000e+00 : f32
        %broadcast_in_dim3A_104 = vector.broadcast %broadcast_in_dim3A : f32 to vector<16xf32>
        %scan3A_105 = arith.constant 0 : i32
        %scan3A_106 = arith.constant 8 : i32
        %scan3A_107 = arith.addi %scan3A_105, %scan3A_106 : i32
        %scan3A_108 = arith.constant 1 : i32
        %scan3A_109 = scf.for %scan3A_114 = %scan3A_105 to %scan3A_107 step %scan3A_108 iter_args(%scan3A_115 = %broadcast_in_dim3A_104) -> (vector<16xf32>)  : i32 {
          %mul3A_116 = arith.constant 16 : i32
          %mul3A_117 = arith.muli %add3A_103, %mul3A_116 : i32
          %mul3A_118 = arith.constant 2 : i32
          %mul3A_119 = arith.muli %mul3A_118, %scan3A_114 : i32
          %add3A_120 = arith.addi %mul3A_117, %mul3A_119 : i32
          %get3A = arith.index_cast %add3A_120 : i32 to index
          %get3A_121 = arith.constant 0 : index
          %get3A_122 = tpu.vector_load %arg8[%get3A, %get3A_121] {strides = array<i32>} : memref<80x128xf32, #tpu.memory_space<vmem>>, vector<16xf32>,
          %get3A_123 = arith.index_cast %add3A_120 : i32 to index
          %get3A_124 = arith.constant 0 : index
          %get3A_125 = tpu.vector_load %arg9[%get3A_123, %get3A_124] {strides = array<i32>} : memref<80x128xf32, #tpu.memory_space<vmem>>, vector<16xf32>,
          %mul3A_126 = arith.mulf %get3A_122, %get3A_125 : vector<16xf32>
          %get3A_127 = arith.index_cast %add3A_120 : i32 to index
          %get3A_128 = arith.constant 16 : index
          %get3A_129 = tpu.vector_load %arg8[%get3A_127, %get3A_128] {strides = array<i32>} : memref<80x128xf32, #tpu.memory_space<vmem>>, vector<16xf32>,
          %get3A_130 = arith.index_cast %add3A_120 : i32 to index
          %get3A_131 = arith.constant 16 : index
          %get3A_132 = tpu.vector_load %arg9[%get3A_130, %get3A_131] {strides = array<i32>} : memref<80x128xf32, #tpu.memory_space<vmem>>, vector<16xf32>,
          %mul3A_133 = arith.mulf %get3A_129, %get3A_132 : vector<16xf32>
          %add3A_134 = arith.addf %mul3A_126, %mul3A_133 : vector<16xf32>
          %get3A_135 = arith.index_cast %add3A_120 : i32 to index
          %get3A_136 = arith.constant 32 : index
          %get3A_137 = tpu.vector_load %arg8[%get3A_135, %get3A_136] {strides = array<i32>} : memref<80x128xf32, #tpu.memory_space<vmem>>, vector<16xf32>,
          %get3A_138 = arith.index_cast %add3A_120 : i32 to index
          %get3A_139 = arith.constant 32 : index
          %get3A_140 = tpu.vector_load %arg9[%get3A_138, %get3A_139] {strides = array<i32>} : memref<80x128xf32, #tpu.memory_space<vmem>>, vector<16xf32>,
          %mul3A_141 = arith.mulf %get3A_137, %get3A_140 : vector<16xf32>
          %add3A_142 = arith.addf %add3A_134, %mul3A_141 : vector<16xf32>
          %get3A_143 = arith.index_cast %add3A_120 : i32 to index
          %get3A_144 = arith.constant 48 : index
          %get3A_145 = tpu.vector_load %arg8[%get3A_143, %get3A_144] {strides = array<i32>} : memref<80x128xf32, #tpu.memory_space<vmem>>, vector<16xf32>,
          %get3A_146 = arith.index_cast %add3A_120 : i32 to index
          %get3A_147 = arith.constant 48 : index
          %get3A_148 = tpu.vector_load %arg9[%get3A_146, %get3A_147] {strides = array<i32>} : memref<80x128xf32, #tpu.memory_space<vmem>>, vector<16xf32>,
          %mul3A_149 = arith.mulf %get3A_145, %get3A_148 : vector<16xf32>
          %add3A_150 = arith.addf %add3A_142, %mul3A_149 : vector<16xf32>
          %get3A_151 = arith.index_cast %add3A_120 : i32 to index
          %get3A_152 = arith.constant 64 : index
          %get3A_153 = tpu.vector_load %arg8[%get3A_151, %get3A_152] {strides = array<i32>} : memref<80x128xf32, #tpu.memory_space<vmem>>, vector<16xf32>,
          %get3A_154 = arith.index_cast %add3A_120 : i32 to index
          %get3A_155 = arith.constant 64 : index
          %get3A_156 = tpu.vector_load %arg9[%get3A_154, %get3A_155] {strides = array<i32>} : memref<80x128xf32, #tpu.memory_space<vmem>>, vector<16xf32>,
          %mul3A_157 = arith.mulf %get3A_153, %get3A_156 : vector<16xf32>
          %add3A_158 = arith.addf %add3A_150, %mul3A_157 : vector<16xf32>
          %get3A_159 = arith.index_cast %add3A_120 : i32 to index
          %get3A_160 = arith.constant 80 : index
          %get3A_161 = tpu.vector_load %arg8[%get3A_159, %get3A_160] {strides = array<i32>} : memref<80x128xf32, #tpu.memory_space<vmem>>, vector<16xf32>,
          %get3A_162 = arith.index_cast %add3A_120 : i32 to index
          %get3A_163 = arith.constant 80 : index
          %get3A_164 = tpu.vector_load %arg9[%get3A_162, %get3A_163] {strides = array<i32>} : memref<80x128xf32, #tpu.memory_space<vmem>>, vector<16xf32>,
          %mul3A_165 = arith.mulf %get3A_161, %get3A_164 : vector<16xf32>
          %add3A_166 = arith.addf %add3A_158, %mul3A_165 : vector<16xf32>
          %get3A_167 = arith.index_cast %add3A_120 : i32 to index
          %get3A_168 = arith.constant 96 : index
          %get3A_169 = tpu.vector_load %arg8[%get3A_167, %get3A_168] {strides = array<i32>} : memref<80x128xf32, #tpu.memory_space<vmem>>, vector<16xf32>,
          %get3A_170 = arith.index_cast %add3A_120 : i32 to index
          %get3A_171 = arith.constant 96 : index
          %get3A_172 = tpu.vector_load %arg9[%get3A_170, %get3A_171] {strides = array<i32>} : memref<80x128xf32, #tpu.memory_space<vmem>>, vector<16xf32>,
          %mul3A_173 = arith.mulf %get3A_169, %get3A_172 : vector<16xf32>
          %add3A_174 = arith.addf %add3A_166, %mul3A_173 : vector<16xf32>
          %get3A_175 = arith.index_cast %add3A_120 : i32 to index
          %get3A_176 = arith.constant 112 : index
          %get3A_177 = tpu.vector_load %arg8[%get3A_175, %get3A_176] {strides = array<i32>} : memref<80x128xf32, #tpu.memory_space<vmem>>, vector<16xf32>,
          %get3A_178 = arith.index_cast %add3A_120 : i32 to index
          %get3A_179 = arith.constant 112 : index
          %get3A_180 = tpu.vector_load %arg9[%get3A_178, %get3A_179] {strides = array<i32>} : memref<80x128xf32, #tpu.memory_space<vmem>>, vector<16xf32>,
          %mul3A_181 = arith.mulf %get3A_177, %get3A_180 : vector<16xf32>
          %add3A_182 = arith.addf %add3A_174, %mul3A_181 : vector<16xf32>
          %reduce_sum3A = arith.constant true
          %reduce_sum3A_183 = vector.broadcast %reduce_sum3A : i1 to vector<16xi1>
          %reduce_sum3A_184 = tpu.scan <sum>, %add3A_182 masked %reduce_sum3A_183 : vector<16xf32>, vector<16xi1> -> vector<16xf32>
          %reduce_sum3A_185 = vector.extract %reduce_sum3A_184[15] : f32 from vector<16xf32>
          %add3A_186 = arith.constant 1 : i32
          %add3A_187 = arith.addi %add3A_120, %add3A_186 : i32
          %get3A_188 = arith.index_cast %add3A_187 : i32 to index
          %get3A_189 = arith.constant 0 : index
          %get3A_190 = tpu.vector_load %arg8[%get3A_188, %get3A_189] {strides = array<i32>} : memref<80x128xf32, #tpu.memory_space<vmem>>, vector<16xf32>,
          %get3A_191 = arith.index_cast %add3A_187 : i32 to index
          %get3A_192 = arith.constant 0 : index
          %get3A_193 = tpu.vector_load %arg9[%get3A_191, %get3A_192] {strides = array<i32>} : memref<80x128xf32, #tpu.memory_space<vmem>>, vector<16xf32>,
          %mul3A_194 = arith.mulf %get3A_190, %get3A_193 : vector<16xf32>
          %get3A_195 = arith.index_cast %add3A_187 : i32 to index
          %get3A_196 = arith.constant 16 : index
          %get3A_197 = tpu.vector_load %arg8[%get3A_195, %get3A_196] {strides = array<i32>} : memref<80x128xf32, #tpu.memory_space<vmem>>, vector<16xf32>,
          %get3A_198 = arith.index_cast %add3A_187 : i32 to index
          %get3A_199 = arith.constant 16 : index
          %get3A_200 = tpu.vector_load %arg9[%get3A_198, %get3A_199] {strides = array<i32>} : memref<80x128xf32, #tpu.memory_space<vmem>>, vector<16xf32>,
          %mul3A_201 = arith.mulf %get3A_197, %get3A_200 : vector<16xf32>
          %add3A_202 = arith.addf %mul3A_194, %mul3A_201 : vector<16xf32>
          %get3A_203 = arith.index_cast %add3A_187 : i32 to index
          %get3A_204 = arith.constant 32 : index
          %get3A_205 = tpu.vector_load %arg8[%get3A_203, %get3A_204] {strides = array<i32>} : memref<80x128xf32, #tpu.memory_space<vmem>>, vector<16xf32>,
          %get3A_206 = arith.index_cast %add3A_187 : i32 to index
          %get3A_207 = arith.constant 32 : index
          %get3A_208 = tpu.vector_load %arg9[%get3A_206, %get3A_207] {strides = array<i32>} : memref<80x128xf32, #tpu.memory_space<vmem>>, vector<16xf32>,
          %mul3A_209 = arith.mulf %get3A_205, %get3A_208 : vector<16xf32>
          %add3A_210 = arith.addf %add3A_202, %mul3A_209 : vector<16xf32>
          %get3A_211 = arith.index_cast %add3A_187 : i32 to index
          %get3A_212 = arith.constant 48 : index
          %get3A_213 = tpu.vector_load %arg8[%get3A_211, %get3A_212] {strides = array<i32>} : memref<80x128xf32, #tpu.memory_space<vmem>>, vector<16xf32>,
          %get3A_214 = arith.index_cast %add3A_187 : i32 to index
          %get3A_215 = arith.constant 48 : index
          %get3A_216 = tpu.vector_load %arg9[%get3A_214, %get3A_215] {strides = array<i32>} : memref<80x128xf32, #tpu.memory_space<vmem>>, vector<16xf32>,
          %mul3A_217 = arith.mulf %get3A_213, %get3A_216 : vector<16xf32>
          %add3A_218 = arith.addf %add3A_210, %mul3A_217 : vector<16xf32>
          %get3A_219 = arith.index_cast %add3A_187 : i32 to index
          %get3A_220 = arith.constant 64 : index
          %get3A_221 = tpu.vector_load %arg8[%get3A_219, %get3A_220] {strides = array<i32>} : memref<80x128xf32, #tpu.memory_space<vmem>>, vector<16xf32>,
          %get3A_222 = arith.index_cast %add3A_187 : i32 to index
          %get3A_223 = arith.constant 64 : index
          %get3A_224 = tpu.vector_load %arg9[%get3A_222, %get3A_223] {strides = array<i32>} : memref<80x128xf32, #tpu.memory_space<vmem>>, vector<16xf32>,
          %mul3A_225 = arith.mulf %get3A_221, %get3A_224 : vector<16xf32>
          %add3A_226 = arith.addf %add3A_218, %mul3A_225 : vector<16xf32>
          %get3A_227 = arith.index_cast %add3A_187 : i32 to index
          %get3A_228 = arith.constant 80 : index
          %get3A_229 = tpu.vector_load %arg8[%get3A_227, %get3A_228] {strides = array<i32>} : memref<80x128xf32, #tpu.memory_space<vmem>>, vector<16xf32>,
          %get3A_230 = arith.index_cast %add3A_187 : i32 to index
          %get3A_231 = arith.constant 80 : index
          %get3A_232 = tpu.vector_load %arg9[%get3A_230, %get3A_231] {strides = array<i32>} : memref<80x128xf32, #tpu.memory_space<vmem>>, vector<16xf32>,
          %mul3A_233 = arith.mulf %get3A_229, %get3A_232 : vector<16xf32>
          %add3A_234 = arith.addf %add3A_226, %mul3A_233 : vector<16xf32>
          %get3A_235 = arith.index_cast %add3A_187 : i32 to index
          %get3A_236 = arith.constant 96 : index
          %get3A_237 = tpu.vector_load %arg8[%get3A_235, %get3A_236] {strides = array<i32>} : memref<80x128xf32, #tpu.memory_space<vmem>>, vector<16xf32>,
          %get3A_238 = arith.index_cast %add3A_187 : i32 to index
          %get3A_239 = arith.constant 96 : index
          %get3A_240 = tpu.vector_load %arg9[%get3A_238, %get3A_239] {strides = array<i32>} : memref<80x128xf32, #tpu.memory_space<vmem>>, vector<16xf32>,
          %mul3A_241 = arith.mulf %get3A_237, %get3A_240 : vector<16xf32>
          %add3A_242 = arith.addf %add3A_234, %mul3A_241 : vector<16xf32>
          %get3A_243 = arith.index_cast %add3A_187 : i32 to index
          %get3A_244 = arith.constant 112 : index
          %get3A_245 = tpu.vector_load %arg8[%get3A_243, %get3A_244] {strides = array<i32>} : memref<80x128xf32, #tpu.memory_space<vmem>>, vector<16xf32>,
          %get3A_246 = arith.index_cast %add3A_187 : i32 to index
          %get3A_247 = arith.constant 112 : index
          %get3A_248 = tpu.vector_load %arg9[%get3A_246, %get3A_247] {strides = array<i32>} : memref<80x128xf32, #tpu.memory_space<vmem>>, vector<16xf32>,
          %mul3A_249 = arith.mulf %get3A_245, %get3A_248 : vector<16xf32>
          %add3A_250 = arith.addf %add3A_242, %mul3A_249 : vector<16xf32>
          %reduce_sum3A_251 = arith.constant true
          %reduce_sum3A_252 = vector.broadcast %reduce_sum3A_251 : i1 to vector<16xi1>
          %reduce_sum3A_253 = tpu.scan <sum>, %add3A_250 masked %reduce_sum3A_252 : vector<16xf32>, vector<16xi1> -> vector<16xf32>
          %reduce_sum3A_254 = vector.extract %reduce_sum3A_253[15] : f32 from vector<16xf32>
          %mul3A_255 = arith.constant 2 : i32
          %mul3A_256 = arith.muli %mul3A_255, %scan3A_114 : i32
          %eq3A = vector.broadcast %mul3A_256 : i32 to vector<16xi32>
          %eq3A_257 = arith.cmpi eq, %iota3A, %eq3A : vector<16xi32>
          %broadcast_in_dim3A_258 = vector.broadcast %reduce_sum3A_185 : f32 to vector<16xf32>
          %select_n3A = arith.select %eq3A_257, %broadcast_in_dim3A_258, %scan3A_115 : vector<16xi1>, vector<16xf32>
          %mul3A_259 = arith.constant 2 : i32
          %mul3A_260 = arith.muli %mul3A_259, %scan3A_114 : i32
          %add3A_261 = arith.constant 1 : i32
          %add3A_262 = arith.addi %mul3A_260, %add3A_261 : i32
          %eq3A_263 = vector.broadcast %add3A_262 : i32 to vector<16xi32>
          %eq3A_264 = arith.cmpi eq, %iota3A, %eq3A_263 : vector<16xi32>
          %broadcast_in_dim3A_265 = vector.broadcast %reduce_sum3A_254 : f32 to vector<16xf32>
          %select_n3A_266 = arith.select %eq3A_264, %broadcast_in_dim3A_265, %select_n3A : vector<16xi1>, vector<16xf32>
          scf.yield %select_n3A_266 : vector<16xf32>
        }
        %scan3A_110 = arith.constant 8 : i32
        %mul3A_111 = arith.constant 16 : i32
        %mul3A_112 = arith.muli %add3A_103, %mul3A_111 : i32
        %swap3A = arith.index_cast %mul3A_112 : i32 to index
        %swap3A_113 = tpu.vector_load %arg12[%swap3A] {strides = array<i32>} : memref<80xf32, #tpu.memory_space<vmem>>, vector<16xf32>,
        tpu.vector_store %arg12[%swap3A], %scan3A_109 {strides = array<i32>} : memref<80xf32, #tpu.memory_space<vmem>>, vector<16xf32>,
      }
      %scan3A_63 = arith.constant 5 : i32
      %mul3A_64 = arith.constant 80 : i32
      %mul3A_65 = arith.muli %add3A_36, %mul3A_64 : i32
      %add3A_66 = arith.addi %mul3A_2, %mul3A_65 : i32
      "tpu.region"() ({
        %run_scoped3A = tpu.sem_alloc : memref<!tpu.dma_semaphore, #tpu.memory_space<semaphore_mem>>
        %dma_start3A_99 = tpu.memref_slice %arg5[%add3A_66] : memref<320000xf32, #tpu.memory_space<hbm>> -> memref<80xf32, #tpu.memory_space<hbm>>
        %dma_start3A_100 = tpu.memref_slice %arg5[%add3A_66] : memref<320000xf32, #tpu.memory_space<hbm>> -> memref<80xf32, #tpu.memory_space<hbm>>
        tpu.enqueue_dma source(%arg12 : memref<80xf32, #tpu.memory_space<vmem>>) target(%dma_start3A_100 : memref<80xf32, #tpu.memory_space<hbm>>) target_semaphore(%run_scoped3A : memref<!tpu.dma_semaphore, #tpu.memory_space<semaphore_mem>>)
        %dma_wait3A_101 = tpu.memref_slice %arg5[%add3A_66] : memref<320000xf32, #tpu.memory_space<hbm>> -> memref<80xf32, #tpu.memory_space<hbm>>
        %dma_wait3A_102 = tpu.memref_slice %arg5[%add3A_66] : memref<320000xf32, #tpu.memory_space<hbm>> -> memref<80xf32, #tpu.memory_space<hbm>>
        tpu.wait_dma2 semaphore(%run_scoped3A : memref<!tpu.dma_semaphore, #tpu.memory_space<semaphore_mem>>) src(%arg12 : memref<80xf32, #tpu.memory_space<vmem>>) dst(%dma_wait3A_102 : memref<80xf32, #tpu.memory_space<hbm>>)
        tpu.yield
      }) : () -> ()
      %add3A_67 = arith.constant 2 : i32
      %add3A_68 = arith.addi %add3A_36, %add3A_67 : i32
      %mul3A_69 = arith.constant 80 : i32
      %mul3A_70 = arith.muli %add3A_68, %mul3A_69 : i32
      %dma_start3A_71 = tpu.memref_slice %arg6[%mul3A_70] : memref<10000xi32, #tpu.memory_space<vmem>> -> memref<80xi32, #tpu.memory_space<vmem>>
      %dma_start3A_72 = arith.constant 0 : i32
      %dma_start3A_73 = arith.constant 0 : i32
      %dma_start3A_74 = tpu.memref_slice %arg2[%dma_start3A_72, %dma_start3A_73] : memref<10000x128xf32, #tpu.memory_space<hbm>> -> memref<10000x128xf32, #tpu.memory_space<hbm>>
      tpu.enqueue_indirect_dma source(%dma_start3A_74 : memref<10000x128xf32, #tpu.memory_space<hbm>>) target(%arg8 : memref<80x128xf32, #tpu.memory_space<vmem>>) offsets(%dma_start3A_71 : memref<80xi32, #tpu.memory_space<vmem>>) semaphore(%arg14 : memref<!tpu.dma_semaphore, #tpu.memory_space<semaphore_mem>>)
      %dma_start3A_75 = tpu.memref_slice %arg7[%mul3A_70] : memref<10000xi32, #tpu.memory_space<vmem>> -> memref<80xi32, #tpu.memory_space<vmem>>
      %dma_start3A_76 = arith.constant 0 : i32
      %dma_start3A_77 = arith.constant 0 : i32
      %dma_start3A_78 = tpu.memref_slice %arg2[%dma_start3A_76, %dma_start3A_77] : memref<10000x128xf32, #tpu.memory_space<hbm>> -> memref<10000x128xf32, #tpu.memory_space<hbm>>
      tpu.enqueue_indirect_dma source(%dma_start3A_78 : memref<10000x128xf32, #tpu.memory_space<hbm>>) target(%arg9 : memref<80x128xf32, #tpu.memory_space<vmem>>) offsets(%dma_start3A_75 : memref<80xi32, #tpu.memory_space<vmem>>) semaphore(%arg14 : memref<!tpu.dma_semaphore, #tpu.memory_space<semaphore_mem>>)
      %dma_wait3A_79 = arith.constant 0 : i32
      %dma_wait3A_80 = tpu.memref_slice %arg6[%dma_wait3A_79] : memref<10000xi32, #tpu.memory_space<vmem>> -> memref<80xi32, #tpu.memory_space<vmem>>
      %dma_wait3A_81 = arith.constant 0 : i32
      %dma_wait3A_82 = arith.constant 0 : i32
      %dma_wait3A_83 = tpu.memref_slice %arg2[%dma_wait3A_81, %dma_wait3A_82] : memref<10000x128xf32, #tpu.memory_space<hbm>> -> memref<10000x128xf32, #tpu.memory_space<hbm>>
      tpu.wait_indirect_dma semaphore(%arg15 : memref<!tpu.dma_semaphore, #tpu.memory_space<semaphore_mem>>) src(%dma_wait3A_83 : memref<10000x128xf32, #tpu.memory_space<hbm>>) dst(%arg10 : memref<80x128xf32, #tpu.memory_space<vmem>>)
      %dma_wait3A_84 = arith.constant 0 : i32
      %dma_wait3A_85 = tpu.memref_slice %arg7[%dma_wait3A_84] : memref<10000xi32, #tpu.memory_space<vmem>> -> memref<80xi32, #tpu.memory_space<vmem>>
      %dma_wait3A_86 = arith.constant 0 : i32
      %dma_wait3A_87 = arith.constant 0 : i32
      %dma_wait3A_88 = tpu.memref_slice %arg2[%dma_wait3A_86, %dma_wait3A_87] : memref<10000x128xf32, #tpu.memory_space<hbm>> -> memref<10000x128xf32, #tpu.memory_space<hbm>>
      tpu.wait_indirect_dma semaphore(%arg15 : memref<!tpu.dma_semaphore, #tpu.memory_space<semaphore_mem>>) src(%dma_wait3A_88 : memref<10000x128xf32, #tpu.memory_space<hbm>>) dst(%arg11 : memref<80x128xf32, #tpu.memory_space<vmem>>)
      %add3A_89 = arith.constant 1 : i32
      %add3A_90 = arith.addi %add3A_36, %add3A_89 : i32
      %scan3A_91 = arith.constant 0 : i32
      %scan3A_92 = arith.constant 5 : i32
      %scan3A_93 = arith.addi %scan3A_91, %scan3A_92 : i32
      %scan3A_94 = arith.constant 1 : i32
      scf.for %scan3A_99 = %scan3A_91 to %scan3A_93 step %scan3A_94  : i32 {
        %mul3A_100 = arith.constant 1 : i32
        %mul3A_101 = arith.muli %scan3A_99, %mul3A_100 : i32
        %add3A_102 = arith.constant 0 : i32
        %add3A_103 = arith.addi %add3A_102, %mul3A_101 : i32
        %broadcast_in_dim3A = arith.constant 0.000000e+00 : f32
        %broadcast_in_dim3A_104 = vector.broadcast %broadcast_in_dim3A : f32 to vector<16xf32>
        %scan3A_105 = arith.constant 0 : i32
        %scan3A_106 = arith.constant 8 : i32
        %scan3A_107 = arith.addi %scan3A_105, %scan3A_106 : i32
        %scan3A_108 = arith.constant 1 : i32
        %scan3A_109 = scf.for %scan3A_114 = %scan3A_105 to %scan3A_107 step %scan3A_108 iter_args(%scan3A_115 = %broadcast_in_dim3A_104) -> (vector<16xf32>)  : i32 {
          %mul3A_116 = arith.constant 16 : i32
          %mul3A_117 = arith.muli %add3A_103, %mul3A_116 : i32
          %mul3A_118 = arith.constant 2 : i32
          %mul3A_119 = arith.muli %mul3A_118, %scan3A_114 : i32
          %add3A_120 = arith.addi %mul3A_117, %mul3A_119 : i32
          %get3A = arith.index_cast %add3A_120 : i32 to index
          %get3A_121 = arith.constant 0 : index
          %get3A_122 = tpu.vector_load %arg10[%get3A, %get3A_121] {strides = array<i32>} : memref<80x128xf32, #tpu.memory_space<vmem>>, vector<16xf32>,
          %get3A_123 = arith.index_cast %add3A_120 : i32 to index
          %get3A_124 = arith.constant 0 : index
          %get3A_125 = tpu.vector_load %arg11[%get3A_123, %get3A_124] {strides = array<i32>} : memref<80x128xf32, #tpu.memory_space<vmem>>, vector<16xf32>,
          %mul3A_126 = arith.mulf %get3A_122, %get3A_125 : vector<16xf32>
          %get3A_127 = arith.index_cast %add3A_120 : i32 to index
          %get3A_128 = arith.constant 16 : index
          %get3A_129 = tpu.vector_load %arg10[%get3A_127, %get3A_128] {strides = array<i32>} : memref<80x128xf32, #tpu.memory_space<vmem>>, vector<16xf32>,
          %get3A_130 = arith.index_cast %add3A_120 : i32 to index
          %get3A_131 = arith.constant 16 : index
          %get3A_132 = tpu.vector_load %arg11[%get3A_130, %get3A_131] {strides = array<i32>} : memref<80x128xf32, #tpu.memory_space<vmem>>, vector<16xf32>,
          %mul3A_133 = arith.mulf %get3A_129, %get3A_132 : vector<16xf32>
          %add3A_134 = arith.addf %mul3A_126, %mul3A_133 : vector<16xf32>
          %get3A_135 = arith.index_cast %add3A_120 : i32 to index
          %get3A_136 = arith.constant 32 : index
          %get3A_137 = tpu.vector_load %arg10[%get3A_135, %get3A_136] {strides = array<i32>} : memref<80x128xf32, #tpu.memory_space<vmem>>, vector<16xf32>,
          %get3A_138 = arith.index_cast %add3A_120 : i32 to index
          %get3A_139 = arith.constant 32 : index
          %get3A_140 = tpu.vector_load %arg11[%get3A_138, %get3A_139] {strides = array<i32>} : memref<80x128xf32, #tpu.memory_space<vmem>>, vector<16xf32>,
          %mul3A_141 = arith.mulf %get3A_137, %get3A_140 : vector<16xf32>
          %add3A_142 = arith.addf %add3A_134, %mul3A_141 : vector<16xf32>
          %get3A_143 = arith.index_cast %add3A_120 : i32 to index
          %get3A_144 = arith.constant 48 : index
          %get3A_145 = tpu.vector_load %arg10[%get3A_143, %get3A_144] {strides = array<i32>} : memref<80x128xf32, #tpu.memory_space<vmem>>, vector<16xf32>,
          %get3A_146 = arith.index_cast %add3A_120 : i32 to index
          %get3A_147 = arith.constant 48 : index
          %get3A_148 = tpu.vector_load %arg11[%get3A_146, %get3A_147] {strides = array<i32>} : memref<80x128xf32, #tpu.memory_space<vmem>>, vector<16xf32>,
          %mul3A_149 = arith.mulf %get3A_145, %get3A_148 : vector<16xf32>
          %add3A_150 = arith.addf %add3A_142, %mul3A_149 : vector<16xf32>
          %get3A_151 = arith.index_cast %add3A_120 : i32 to index
          %get3A_152 = arith.constant 64 : index
          %get3A_153 = tpu.vector_load %arg10[%get3A_151, %get3A_152] {strides = array<i32>} : memref<80x128xf32, #tpu.memory_space<vmem>>, vector<16xf32>,
          %get3A_154 = arith.index_cast %add3A_120 : i32 to index
          %get3A_155 = arith.constant 64 : index
          %get3A_156 = tpu.vector_load %arg11[%get3A_154, %get3A_155] {strides = array<i32>} : memref<80x128xf32, #tpu.memory_space<vmem>>, vector<16xf32>,
          %mul3A_157 = arith.mulf %get3A_153, %get3A_156 : vector<16xf32>
          %add3A_158 = arith.addf %add3A_150, %mul3A_157 : vector<16xf32>
          %get3A_159 = arith.index_cast %add3A_120 : i32 to index
          %get3A_160 = arith.constant 80 : index
          %get3A_161 = tpu.vector_load %arg10[%get3A_159, %get3A_160] {strides = array<i32>} : memref<80x128xf32, #tpu.memory_space<vmem>>, vector<16xf32>,
          %get3A_162 = arith.index_cast %add3A_120 : i32 to index
          %get3A_163 = arith.constant 80 : index
          %get3A_164 = tpu.vector_load %arg11[%get3A_162, %get3A_163] {strides = array<i32>} : memref<80x128xf32, #tpu.memory_space<vmem>>, vector<16xf32>,
          %mul3A_165 = arith.mulf %get3A_161, %get3A_164 : vector<16xf32>
          %add3A_166 = arith.addf %add3A_158, %mul3A_165 : vector<16xf32>
          %get3A_167 = arith.index_cast %add3A_120 : i32 to index
          %get3A_168 = arith.constant 96 : index
          %get3A_169 = tpu.vector_load %arg10[%get3A_167, %get3A_168] {strides = array<i32>} : memref<80x128xf32, #tpu.memory_space<vmem>>, vector<16xf32>,
          %get3A_170 = arith.index_cast %add3A_120 : i32 to index
          %get3A_171 = arith.constant 96 : index
          %get3A_172 = tpu.vector_load %arg11[%get3A_170, %get3A_171] {strides = array<i32>} : memref<80x128xf32, #tpu.memory_space<vmem>>, vector<16xf32>,
          %mul3A_173 = arith.mulf %get3A_169, %get3A_172 : vector<16xf32>
          %add3A_174 = arith.addf %add3A_166, %mul3A_173 : vector<16xf32>
          %get3A_175 = arith.index_cast %add3A_120 : i32 to index
          %get3A_176 = arith.constant 112 : index
          %get3A_177 = tpu.vector_load %arg10[%get3A_175, %get3A_176] {strides = array<i32>} : memref<80x128xf32, #tpu.memory_space<vmem>>, vector<16xf32>,
          %get3A_178 = arith.index_cast %add3A_120 : i32 to index
          %get3A_179 = arith.constant 112 : index
          %get3A_180 = tpu.vector_load %arg11[%get3A_178, %get3A_179] {strides = array<i32>} : memref<80x128xf32, #tpu.memory_space<vmem>>, vector<16xf32>,
          %mul3A_181 = arith.mulf %get3A_177, %get3A_180 : vector<16xf32>
          %add3A_182 = arith.addf %add3A_174, %mul3A_181 : vector<16xf32>
          %reduce_sum3A = arith.constant true
          %reduce_sum3A_183 = vector.broadcast %reduce_sum3A : i1 to vector<16xi1>
          %reduce_sum3A_184 = tpu.scan <sum>, %add3A_182 masked %reduce_sum3A_183 : vector<16xf32>, vector<16xi1> -> vector<16xf32>
          %reduce_sum3A_185 = vector.extract %reduce_sum3A_184[15] : f32 from vector<16xf32>
          %add3A_186 = arith.constant 1 : i32
          %add3A_187 = arith.addi %add3A_120, %add3A_186 : i32
          %get3A_188 = arith.index_cast %add3A_187 : i32 to index
          %get3A_189 = arith.constant 0 : index
          %get3A_190 = tpu.vector_load %arg10[%get3A_188, %get3A_189] {strides = array<i32>} : memref<80x128xf32, #tpu.memory_space<vmem>>, vector<16xf32>,
          %get3A_191 = arith.index_cast %add3A_187 : i32 to index
          %get3A_192 = arith.constant 0 : index
          %get3A_193 = tpu.vector_load %arg11[%get3A_191, %get3A_192] {strides = array<i32>} : memref<80x128xf32, #tpu.memory_space<vmem>>, vector<16xf32>,
          %mul3A_194 = arith.mulf %get3A_190, %get3A_193 : vector<16xf32>
          %get3A_195 = arith.index_cast %add3A_187 : i32 to index
          %get3A_196 = arith.constant 16 : index
          %get3A_197 = tpu.vector_load %arg10[%get3A_195, %get3A_196] {strides = array<i32>} : memref<80x128xf32, #tpu.memory_space<vmem>>, vector<16xf32>,
          %get3A_198 = arith.index_cast %add3A_187 : i32 to index
          %get3A_199 = arith.constant 16 : index
          %get3A_200 = tpu.vector_load %arg11[%get3A_198, %get3A_199] {strides = array<i32>} : memref<80x128xf32, #tpu.memory_space<vmem>>, vector<16xf32>,
          %mul3A_201 = arith.mulf %get3A_197, %get3A_200 : vector<16xf32>
          %add3A_202 = arith.addf %mul3A_194, %mul3A_201 : vector<16xf32>
          %get3A_203 = arith.index_cast %add3A_187 : i32 to index
          %get3A_204 = arith.constant 32 : index
          %get3A_205 = tpu.vector_load %arg10[%get3A_203, %get3A_204] {strides = array<i32>} : memref<80x128xf32, #tpu.memory_space<vmem>>, vector<16xf32>,
          %get3A_206 = arith.index_cast %add3A_187 : i32 to index
          %get3A_207 = arith.constant 32 : index
          %get3A_208 = tpu.vector_load %arg11[%get3A_206, %get3A_207] {strides = array<i32>} : memref<80x128xf32, #tpu.memory_space<vmem>>, vector<16xf32>,
          %mul3A_209 = arith.mulf %get3A_205, %get3A_208 : vector<16xf32>
          %add3A_210 = arith.addf %add3A_202, %mul3A_209 : vector<16xf32>
          %get3A_211 = arith.index_cast %add3A_187 : i32 to index
          %get3A_212 = arith.constant 48 : index
          %get3A_213 = tpu.vector_load %arg10[%get3A_211, %get3A_212] {strides = array<i32>} : memref<80x128xf32, #tpu.memory_space<vmem>>, vector<16xf32>,
          %get3A_214 = arith.index_cast %add3A_187 : i32 to index
          %get3A_215 = arith.constant 48 : index
          %get3A_216 = tpu.vector_load %arg11[%get3A_214, %get3A_215] {strides = array<i32>} : memref<80x128xf32, #tpu.memory_space<vmem>>, vector<16xf32>,
          %mul3A_217 = arith.mulf %get3A_213, %get3A_216 : vector<16xf32>
          %add3A_218 = arith.addf %add3A_210, %mul3A_217 : vector<16xf32>
          %get3A_219 = arith.index_cast %add3A_187 : i32 to index
          %get3A_220 = arith.constant 64 : index
          %get3A_221 = tpu.vector_load %arg10[%get3A_219, %get3A_220] {strides = array<i32>} : memref<80x128xf32, #tpu.memory_space<vmem>>, vector<16xf32>,
          %get3A_222 = arith.index_cast %add3A_187 : i32 to index
          %get3A_223 = arith.constant 64 : index
          %get3A_224 = tpu.vector_load %arg11[%get3A_222, %get3A_223] {strides = array<i32>} : memref<80x128xf32, #tpu.memory_space<vmem>>, vector<16xf32>,
          %mul3A_225 = arith.mulf %get3A_221, %get3A_224 : vector<16xf32>
          %add3A_226 = arith.addf %add3A_218, %mul3A_225 : vector<16xf32>
          %get3A_227 = arith.index_cast %add3A_187 : i32 to index
          %get3A_228 = arith.constant 80 : index
          %get3A_229 = tpu.vector_load %arg10[%get3A_227, %get3A_228] {strides = array<i32>} : memref<80x128xf32, #tpu.memory_space<vmem>>, vector<16xf32>,
          %get3A_230 = arith.index_cast %add3A_187 : i32 to index
          %get3A_231 = arith.constant 80 : index
          %get3A_232 = tpu.vector_load %arg11[%get3A_230, %get3A_231] {strides = array<i32>} : memref<80x128xf32, #tpu.memory_space<vmem>>, vector<16xf32>,
          %mul3A_233 = arith.mulf %get3A_229, %get3A_232 : vector<16xf32>
          %add3A_234 = arith.addf %add3A_226, %mul3A_233 : vector<16xf32>
          %get3A_235 = arith.index_cast %add3A_187 : i32 to index
          %get3A_236 = arith.constant 96 : index
          %get3A_237 = tpu.vector_load %arg10[%get3A_235, %get3A_236] {strides = array<i32>} : memref<80x128xf32, #tpu.memory_space<vmem>>, vector<16xf32>,
          %get3A_238 = arith.index_cast %add3A_187 : i32 to index
          %get3A_239 = arith.constant 96 : index
          %get3A_240 = tpu.vector_load %arg11[%get3A_238, %get3A_239] {strides = array<i32>} : memref<80x128xf32, #tpu.memory_space<vmem>>, vector<16xf32>,
          %mul3A_241 = arith.mulf %get3A_237, %get3A_240 : vector<16xf32>
          %add3A_242 = arith.addf %add3A_234, %mul3A_241 : vector<16xf32>
          %get3A_243 = arith.index_cast %add3A_187 : i32 to index
          %get3A_244 = arith.constant 112 : index
          %get3A_245 = tpu.vector_load %arg10[%get3A_243, %get3A_244] {strides = array<i32>} : memref<80x128xf32, #tpu.memory_space<vmem>>, vector<16xf32>,
          %get3A_246 = arith.index_cast %add3A_187 : i32 to index
          %get3A_247 = arith.constant 112 : index
          %get3A_248 = tpu.vector_load %arg11[%get3A_246, %get3A_247] {strides = array<i32>} : memref<80x128xf32, #tpu.memory_space<vmem>>, vector<16xf32>,
          %mul3A_249 = arith.mulf %get3A_245, %get3A_248 : vector<16xf32>
          %add3A_250 = arith.addf %add3A_242, %mul3A_249 : vector<16xf32>
          %reduce_sum3A_251 = arith.constant true
          %reduce_sum3A_252 = vector.broadcast %reduce_sum3A_251 : i1 to vector<16xi1>
          %reduce_sum3A_253 = tpu.scan <sum>, %add3A_250 masked %reduce_sum3A_252 : vector<16xf32>, vector<16xi1> -> vector<16xf32>
          %reduce_sum3A_254 = vector.extract %reduce_sum3A_253[15] : f32 from vector<16xf32>
          %mul3A_255 = arith.constant 2 : i32
          %mul3A_256 = arith.muli %mul3A_255, %scan3A_114 : i32
          %eq3A = vector.broadcast %mul3A_256 : i32 to vector<16xi32>
          %eq3A_257 = arith.cmpi eq, %iota3A, %eq3A : vector<16xi32>
          %broadcast_in_dim3A_258 = vector.broadcast %reduce_sum3A_185 : f32 to vector<16xf32>
          %select_n3A = arith.select %eq3A_257, %broadcast_in_dim3A_258, %scan3A_115 : vector<16xi1>, vector<16xf32>
          %mul3A_259 = arith.constant 2 : i32
          %mul3A_260 = arith.muli %mul3A_259, %scan3A_114 : i32
          %add3A_261 = arith.constant 1 : i32
          %add3A_262 = arith.addi %mul3A_260, %add3A_261 : i32
          %eq3A_263 = vector.broadcast %add3A_262 : i32 to vector<16xi32>
          %eq3A_264 = arith.cmpi eq, %iota3A, %eq3A_263 : vector<16xi32>
          %broadcast_in_dim3A_265 = vector.broadcast %reduce_sum3A_254 : f32 to vector<16xf32>
          %select_n3A_266 = arith.select %eq3A_264, %broadcast_in_dim3A_265, %select_n3A : vector<16xi1>, vector<16xf32>
          scf.yield %select_n3A_266 : vector<16xf32>
        }
        %scan3A_110 = arith.constant 8 : i32
        %mul3A_111 = arith.constant 16 : i32
        %mul3A_112 = arith.muli %add3A_103, %mul3A_111 : i32
        %swap3A = arith.index_cast %mul3A_112 : i32 to index
        %swap3A_113 = tpu.vector_load %arg13[%swap3A] {strides = array<i32>} : memref<80xf32, #tpu.memory_space<vmem>>, vector<16xf32>,
        tpu.vector_store %arg13[%swap3A], %scan3A_109 {strides = array<i32>} : memref<80xf32, #tpu.memory_space<vmem>>, vector<16xf32>,
      }
      %scan3A_95 = arith.constant 5 : i32
      %mul3A_96 = arith.constant 80 : i32
      %mul3A_97 = arith.muli %add3A_90, %mul3A_96 : i32
      %add3A_98 = arith.addi %mul3A_2, %mul3A_97 : i32
      "tpu.region"() ({
        %run_scoped3A = tpu.sem_alloc : memref<!tpu.dma_semaphore, #tpu.memory_space<semaphore_mem>>
        %dma_start3A_99 = tpu.memref_slice %arg5[%add3A_98] : memref<320000xf32, #tpu.memory_space<hbm>> -> memref<80xf32, #tpu.memory_space<hbm>>
        %dma_start3A_100 = tpu.memref_slice %arg5[%add3A_98] : memref<320000xf32, #tpu.memory_space<hbm>> -> memref<80xf32, #tpu.memory_space<hbm>>
        tpu.enqueue_dma source(%arg13 : memref<80xf32, #tpu.memory_space<vmem>>) target(%dma_start3A_100 : memref<80xf32, #tpu.memory_space<hbm>>) target_semaphore(%run_scoped3A : memref<!tpu.dma_semaphore, #tpu.memory_space<semaphore_mem>>)
        %dma_wait3A_101 = tpu.memref_slice %arg5[%add3A_98] : memref<320000xf32, #tpu.memory_space<hbm>> -> memref<80xf32, #tpu.memory_space<hbm>>
        %dma_wait3A_102 = tpu.memref_slice %arg5[%add3A_98] : memref<320000xf32, #tpu.memory_space<hbm>> -> memref<80xf32, #tpu.memory_space<hbm>>
        tpu.wait_dma2 semaphore(%run_scoped3A : memref<!tpu.dma_semaphore, #tpu.memory_space<semaphore_mem>>) src(%arg13 : memref<80xf32, #tpu.memory_space<vmem>>) dst(%dma_wait3A_102 : memref<80xf32, #tpu.memory_space<hbm>>)
        tpu.yield
      }) : () -> ()
    }
    %scan3A_15 = arith.constant 62 : i32
    %dma_wait3A = arith.constant 0 : i32
    %dma_wait3A_16 = tpu.memref_slice %arg6[%dma_wait3A] : memref<10000xi32, #tpu.memory_space<vmem>> -> memref<80xi32, #tpu.memory_space<vmem>>
    %dma_wait3A_17 = arith.constant 0 : i32
    %dma_wait3A_18 = arith.constant 0 : i32
    %dma_wait3A_19 = tpu.memref_slice %arg2[%dma_wait3A_17, %dma_wait3A_18] : memref<10000x128xf32, #tpu.memory_space<hbm>> -> memref<10000x128xf32, #tpu.memory_space<hbm>>
    tpu.wait_indirect_dma semaphore(%arg14 : memref<!tpu.dma_semaphore, #tpu.memory_space<semaphore_mem>>) src(%dma_wait3A_19 : memref<10000x128xf32, #tpu.memory_space<hbm>>) dst(%arg8 : memref<80x128xf32, #tpu.memory_space<vmem>>)
    %dma_wait3A_20 = arith.constant 0 : i32
    %dma_wait3A_21 = tpu.memref_slice %arg7[%dma_wait3A_20] : memref<10000xi32, #tpu.memory_space<vmem>> -> memref<80xi32, #tpu.memory_space<vmem>>
    %dma_wait3A_22 = arith.constant 0 : i32
    %dma_wait3A_23 = arith.constant 0 : i32
    %dma_wait3A_24 = tpu.memref_slice %arg2[%dma_wait3A_22, %dma_wait3A_23] : memref<10000x128xf32, #tpu.memory_space<hbm>> -> memref<10000x128xf32, #tpu.memory_space<hbm>>
    tpu.wait_indirect_dma semaphore(%arg14 : memref<!tpu.dma_semaphore, #tpu.memory_space<semaphore_mem>>) src(%dma_wait3A_24 : memref<10000x128xf32, #tpu.memory_space<hbm>>) dst(%arg9 : memref<80x128xf32, #tpu.memory_space<vmem>>)
    %scan3A_25 = arith.constant 0 : i32
    %scan3A_26 = arith.constant 5 : i32
    %scan3A_27 = arith.addi %scan3A_25, %scan3A_26 : i32
    %scan3A_28 = arith.constant 1 : i32
    scf.for %scan3A_32 = %scan3A_25 to %scan3A_27 step %scan3A_28  : i32 {
      %mul3A_33 = arith.constant 1 : i32
      %mul3A_34 = arith.muli %scan3A_32, %mul3A_33 : i32
      %add3A_35 = arith.constant 0 : i32
      %add3A_36 = arith.addi %add3A_35, %mul3A_34 : i32
      %broadcast_in_dim3A = arith.constant 0.000000e+00 : f32
      %broadcast_in_dim3A_37 = vector.broadcast %broadcast_in_dim3A : f32 to vector<16xf32>
      %scan3A_38 = arith.constant 0 : i32
      %scan3A_39 = arith.constant 8 : i32
      %scan3A_40 = arith.addi %scan3A_38, %scan3A_39 : i32
      %scan3A_41 = arith.constant 1 : i32
      %scan3A_42 = scf.for %scan3A_47 = %scan3A_38 to %scan3A_40 step %scan3A_41 iter_args(%scan3A_48 = %broadcast_in_dim3A_37) -> (vector<16xf32>)  : i32 {
        %mul3A_49 = arith.constant 16 : i32
        %mul3A_50 = arith.muli %add3A_36, %mul3A_49 : i32
        %mul3A_51 = arith.constant 2 : i32
        %mul3A_52 = arith.muli %mul3A_51, %scan3A_47 : i32
        %add3A_53 = arith.addi %mul3A_50, %mul3A_52 : i32
        %get3A = arith.index_cast %add3A_53 : i32 to index
        %get3A_54 = arith.constant 0 : index
        %get3A_55 = tpu.vector_load %arg8[%get3A, %get3A_54] {strides = array<i32>} : memref<80x128xf32, #tpu.memory_space<vmem>>, vector<16xf32>,
        %get3A_56 = arith.index_cast %add3A_53 : i32 to index
        %get3A_57 = arith.constant 0 : index
        %get3A_58 = tpu.vector_load %arg9[%get3A_56, %get3A_57] {strides = array<i32>} : memref<80x128xf32, #tpu.memory_space<vmem>>, vector<16xf32>,
        %mul3A_59 = arith.mulf %get3A_55, %get3A_58 : vector<16xf32>
        %get3A_60 = arith.index_cast %add3A_53 : i32 to index
        %get3A_61 = arith.constant 16 : index
        %get3A_62 = tpu.vector_load %arg8[%get3A_60, %get3A_61] {strides = array<i32>} : memref<80x128xf32, #tpu.memory_space<vmem>>, vector<16xf32>,
        %get3A_63 = arith.index_cast %add3A_53 : i32 to index
        %get3A_64 = arith.constant 16 : index
        %get3A_65 = tpu.vector_load %arg9[%get3A_63, %get3A_64] {strides = array<i32>} : memref<80x128xf32, #tpu.memory_space<vmem>>, vector<16xf32>,
        %mul3A_66 = arith.mulf %get3A_62, %get3A_65 : vector<16xf32>
        %add3A_67 = arith.addf %mul3A_59, %mul3A_66 : vector<16xf32>
        %get3A_68 = arith.index_cast %add3A_53 : i32 to index
        %get3A_69 = arith.constant 32 : index
        %get3A_70 = tpu.vector_load %arg8[%get3A_68, %get3A_69] {strides = array<i32>} : memref<80x128xf32, #tpu.memory_space<vmem>>, vector<16xf32>,
        %get3A_71 = arith.index_cast %add3A_53 : i32 to index
        %get3A_72 = arith.constant 32 : index
        %get3A_73 = tpu.vector_load %arg9[%get3A_71, %get3A_72] {strides = array<i32>} : memref<80x128xf32, #tpu.memory_space<vmem>>, vector<16xf32>,
        %mul3A_74 = arith.mulf %get3A_70, %get3A_73 : vector<16xf32>
        %add3A_75 = arith.addf %add3A_67, %mul3A_74 : vector<16xf32>
        %get3A_76 = arith.index_cast %add3A_53 : i32 to index
        %get3A_77 = arith.constant 48 : index
        %get3A_78 = tpu.vector_load %arg8[%get3A_76, %get3A_77] {strides = array<i32>} : memref<80x128xf32, #tpu.memory_space<vmem>>, vector<16xf32>,
        %get3A_79 = arith.index_cast %add3A_53 : i32 to index
        %get3A_80 = arith.constant 48 : index
        %get3A_81 = tpu.vector_load %arg9[%get3A_79, %get3A_80] {strides = array<i32>} : memref<80x128xf32, #tpu.memory_space<vmem>>, vector<16xf32>,
        %mul3A_82 = arith.mulf %get3A_78, %get3A_81 : vector<16xf32>
        %add3A_83 = arith.addf %add3A_75, %mul3A_82 : vector<16xf32>
        %get3A_84 = arith.index_cast %add3A_53 : i32 to index
        %get3A_85 = arith.constant 64 : index
        %get3A_86 = tpu.vector_load %arg8[%get3A_84, %get3A_85] {strides = array<i32>} : memref<80x128xf32, #tpu.memory_space<vmem>>, vector<16xf32>,
        %get3A_87 = arith.index_cast %add3A_53 : i32 to index
        %get3A_88 = arith.constant 64 : index
        %get3A_89 = tpu.vector_load %arg9[%get3A_87, %get3A_88] {strides = array<i32>} : memref<80x128xf32, #tpu.memory_space<vmem>>, vector<16xf32>,
        %mul3A_90 = arith.mulf %get3A_86, %get3A_89 : vector<16xf32>
        %add3A_91 = arith.addf %add3A_83, %mul3A_90 : vector<16xf32>
        %get3A_92 = arith.index_cast %add3A_53 : i32 to index
        %get3A_93 = arith.constant 80 : index
        %get3A_94 = tpu.vector_load %arg8[%get3A_92, %get3A_93] {strides = array<i32>} : memref<80x128xf32, #tpu.memory_space<vmem>>, vector<16xf32>,
        %get3A_95 = arith.index_cast %add3A_53 : i32 to index
        %get3A_96 = arith.constant 80 : index
        %get3A_97 = tpu.vector_load %arg9[%get3A_95, %get3A_96] {strides = array<i32>} : memref<80x128xf32, #tpu.memory_space<vmem>>, vector<16xf32>,
        %mul3A_98 = arith.mulf %get3A_94, %get3A_97 : vector<16xf32>
        %add3A_99 = arith.addf %add3A_91, %mul3A_98 : vector<16xf32>
        %get3A_100 = arith.index_cast %add3A_53 : i32 to index
        %get3A_101 = arith.constant 96 : index
        %get3A_102 = tpu.vector_load %arg8[%get3A_100, %get3A_101] {strides = array<i32>} : memref<80x128xf32, #tpu.memory_space<vmem>>, vector<16xf32>,
        %get3A_103 = arith.index_cast %add3A_53 : i32 to index
        %get3A_104 = arith.constant 96 : index
        %get3A_105 = tpu.vector_load %arg9[%get3A_103, %get3A_104] {strides = array<i32>} : memref<80x128xf32, #tpu.memory_space<vmem>>, vector<16xf32>,
        %mul3A_106 = arith.mulf %get3A_102, %get3A_105 : vector<16xf32>
        %add3A_107 = arith.addf %add3A_99, %mul3A_106 : vector<16xf32>
        %get3A_108 = arith.index_cast %add3A_53 : i32 to index
        %get3A_109 = arith.constant 112 : index
        %get3A_110 = tpu.vector_load %arg8[%get3A_108, %get3A_109] {strides = array<i32>} : memref<80x128xf32, #tpu.memory_space<vmem>>, vector<16xf32>,
        %get3A_111 = arith.index_cast %add3A_53 : i32 to index
        %get3A_112 = arith.constant 112 : index
        %get3A_113 = tpu.vector_load %arg9[%get3A_111, %get3A_112] {strides = array<i32>} : memref<80x128xf32, #tpu.memory_space<vmem>>, vector<16xf32>,
        %mul3A_114 = arith.mulf %get3A_110, %get3A_113 : vector<16xf32>
        %add3A_115 = arith.addf %add3A_107, %mul3A_114 : vector<16xf32>
        %reduce_sum3A = arith.constant true
        %reduce_sum3A_116 = vector.broadcast %reduce_sum3A : i1 to vector<16xi1>
        %reduce_sum3A_117 = tpu.scan <sum>, %add3A_115 masked %reduce_sum3A_116 : vector<16xf32>, vector<16xi1> -> vector<16xf32>
        %reduce_sum3A_118 = vector.extract %reduce_sum3A_117[15] : f32 from vector<16xf32>
        %add3A_119 = arith.constant 1 : i32
        %add3A_120 = arith.addi %add3A_53, %add3A_119 : i32
        %get3A_121 = arith.index_cast %add3A_120 : i32 to index
        %get3A_122 = arith.constant 0 : index
        %get3A_123 = tpu.vector_load %arg8[%get3A_121, %get3A_122] {strides = array<i32>} : memref<80x128xf32, #tpu.memory_space<vmem>>, vector<16xf32>,
        %get3A_124 = arith.index_cast %add3A_120 : i32 to index
        %get3A_125 = arith.constant 0 : index
        %get3A_126 = tpu.vector_load %arg9[%get3A_124, %get3A_125] {strides = array<i32>} : memref<80x128xf32, #tpu.memory_space<vmem>>, vector<16xf32>,
        %mul3A_127 = arith.mulf %get3A_123, %get3A_126 : vector<16xf32>
        %get3A_128 = arith.index_cast %add3A_120 : i32 to index
        %get3A_129 = arith.constant 16 : index
        %get3A_130 = tpu.vector_load %arg8[%get3A_128, %get3A_129] {strides = array<i32>} : memref<80x128xf32, #tpu.memory_space<vmem>>, vector<16xf32>,
        %get3A_131 = arith.index_cast %add3A_120 : i32 to index
        %get3A_132 = arith.constant 16 : index
        %get3A_133 = tpu.vector_load %arg9[%get3A_131, %get3A_132] {strides = array<i32>} : memref<80x128xf32, #tpu.memory_space<vmem>>, vector<16xf32>,
        %mul3A_134 = arith.mulf %get3A_130, %get3A_133 : vector<16xf32>
        %add3A_135 = arith.addf %mul3A_127, %mul3A_134 : vector<16xf32>
        %get3A_136 = arith.index_cast %add3A_120 : i32 to index
        %get3A_137 = arith.constant 32 : index
        %get3A_138 = tpu.vector_load %arg8[%get3A_136, %get3A_137] {strides = array<i32>} : memref<80x128xf32, #tpu.memory_space<vmem>>, vector<16xf32>,
        %get3A_139 = arith.index_cast %add3A_120 : i32 to index
        %get3A_140 = arith.constant 32 : index
        %get3A_141 = tpu.vector_load %arg9[%get3A_139, %get3A_140] {strides = array<i32>} : memref<80x128xf32, #tpu.memory_space<vmem>>, vector<16xf32>,
        %mul3A_142 = arith.mulf %get3A_138, %get3A_141 : vector<16xf32>
        %add3A_143 = arith.addf %add3A_135, %mul3A_142 : vector<16xf32>
        %get3A_144 = arith.index_cast %add3A_120 : i32 to index
        %get3A_145 = arith.constant 48 : index
        %get3A_146 = tpu.vector_load %arg8[%get3A_144, %get3A_145] {strides = array<i32>} : memref<80x128xf32, #tpu.memory_space<vmem>>, vector<16xf32>,
        %get3A_147 = arith.index_cast %add3A_120 : i32 to index
        %get3A_148 = arith.constant 48 : index
        %get3A_149 = tpu.vector_load %arg9[%get3A_147, %get3A_148] {strides = array<i32>} : memref<80x128xf32, #tpu.memory_space<vmem>>, vector<16xf32>,
        %mul3A_150 = arith.mulf %get3A_146, %get3A_149 : vector<16xf32>
        %add3A_151 = arith.addf %add3A_143, %mul3A_150 : vector<16xf32>
        %get3A_152 = arith.index_cast %add3A_120 : i32 to index
        %get3A_153 = arith.constant 64 : index
        %get3A_154 = tpu.vector_load %arg8[%get3A_152, %get3A_153] {strides = array<i32>} : memref<80x128xf32, #tpu.memory_space<vmem>>, vector<16xf32>,
        %get3A_155 = arith.index_cast %add3A_120 : i32 to index
        %get3A_156 = arith.constant 64 : index
        %get3A_157 = tpu.vector_load %arg9[%get3A_155, %get3A_156] {strides = array<i32>} : memref<80x128xf32, #tpu.memory_space<vmem>>, vector<16xf32>,
        %mul3A_158 = arith.mulf %get3A_154, %get3A_157 : vector<16xf32>
        %add3A_159 = arith.addf %add3A_151, %mul3A_158 : vector<16xf32>
        %get3A_160 = arith.index_cast %add3A_120 : i32 to index
        %get3A_161 = arith.constant 80 : index
        %get3A_162 = tpu.vector_load %arg8[%get3A_160, %get3A_161] {strides = array<i32>} : memref<80x128xf32, #tpu.memory_space<vmem>>, vector<16xf32>,
        %get3A_163 = arith.index_cast %add3A_120 : i32 to index
        %get3A_164 = arith.constant 80 : index
        %get3A_165 = tpu.vector_load %arg9[%get3A_163, %get3A_164] {strides = array<i32>} : memref<80x128xf32, #tpu.memory_space<vmem>>, vector<16xf32>,
        %mul3A_166 = arith.mulf %get3A_162, %get3A_165 : vector<16xf32>
        %add3A_167 = arith.addf %add3A_159, %mul3A_166 : vector<16xf32>
        %get3A_168 = arith.index_cast %add3A_120 : i32 to index
        %get3A_169 = arith.constant 96 : index
        %get3A_170 = tpu.vector_load %arg8[%get3A_168, %get3A_169] {strides = array<i32>} : memref<80x128xf32, #tpu.memory_space<vmem>>, vector<16xf32>,
        %get3A_171 = arith.index_cast %add3A_120 : i32 to index
        %get3A_172 = arith.constant 96 : index
        %get3A_173 = tpu.vector_load %arg9[%get3A_171, %get3A_172] {strides = array<i32>} : memref<80x128xf32, #tpu.memory_space<vmem>>, vector<16xf32>,
        %mul3A_174 = arith.mulf %get3A_170, %get3A_173 : vector<16xf32>
        %add3A_175 = arith.addf %add3A_167, %mul3A_174 : vector<16xf32>
        %get3A_176 = arith.index_cast %add3A_120 : i32 to index
        %get3A_177 = arith.constant 112 : index
        %get3A_178 = tpu.vector_load %arg8[%get3A_176, %get3A_177] {strides = array<i32>} : memref<80x128xf32, #tpu.memory_space<vmem>>, vector<16xf32>,
        %get3A_179 = arith.index_cast %add3A_120 : i32 to index
        %get3A_180 = arith.constant 112 : index
        %get3A_181 = tpu.vector_load %arg9[%get3A_179, %get3A_180] {strides = array<i32>} : memref<80x128xf32, #tpu.memory_space<vmem>>, vector<16xf32>,
        %mul3A_182 = arith.mulf %get3A_178, %get3A_181 : vector<16xf32>
        %add3A_183 = arith.addf %add3A_175, %mul3A_182 : vector<16xf32>
        %reduce_sum3A_184 = arith.constant true
        %reduce_sum3A_185 = vector.broadcast %reduce_sum3A_184 : i1 to vector<16xi1>
        %reduce_sum3A_186 = tpu.scan <sum>, %add3A_183 masked %reduce_sum3A_185 : vector<16xf32>, vector<16xi1> -> vector<16xf32>
        %reduce_sum3A_187 = vector.extract %reduce_sum3A_186[15] : f32 from vector<16xf32>
        %mul3A_188 = arith.constant 2 : i32
        %mul3A_189 = arith.muli %mul3A_188, %scan3A_47 : i32
        %eq3A = vector.broadcast %mul3A_189 : i32 to vector<16xi32>
        %eq3A_190 = arith.cmpi eq, %iota3A, %eq3A : vector<16xi32>
        %broadcast_in_dim3A_191 = vector.broadcast %reduce_sum3A_118 : f32 to vector<16xf32>
        %select_n3A = arith.select %eq3A_190, %broadcast_in_dim3A_191, %scan3A_48 : vector<16xi1>, vector<16xf32>
        %mul3A_192 = arith.constant 2 : i32
        %mul3A_193 = arith.muli %mul3A_192, %scan3A_47 : i32
        %add3A_194 = arith.constant 1 : i32
        %add3A_195 = arith.addi %mul3A_193, %add3A_194 : i32
        %eq3A_196 = vector.broadcast %add3A_195 : i32 to vector<16xi32>
        %eq3A_197 = arith.cmpi eq, %iota3A, %eq3A_196 : vector<16xi32>
        %broadcast_in_dim3A_198 = vector.broadcast %reduce_sum3A_187 : f32 to vector<16xf32>
        %select_n3A_199 = arith.select %eq3A_197, %broadcast_in_dim3A_198, %select_n3A : vector<16xi1>, vector<16xf32>
        scf.yield %select_n3A_199 : vector<16xf32>
      }
      %scan3A_43 = arith.constant 8 : i32
      %mul3A_44 = arith.constant 16 : i32
      %mul3A_45 = arith.muli %add3A_36, %mul3A_44 : i32
      %swap3A = arith.index_cast %mul3A_45 : i32 to index
      %swap3A_46 = tpu.vector_load %arg12[%swap3A] {strides = array<i32>} : memref<80xf32, #tpu.memory_space<vmem>>, vector<16xf32>,
      tpu.vector_store %arg12[%swap3A], %scan3A_42 {strides = array<i32>} : memref<80xf32, #tpu.memory_space<vmem>>, vector<16xf32>,
    }
    %scan3A_29 = arith.constant 5 : i32
    %add3A_30 = arith.constant 9920 : i32
    %add3A_31 = arith.addi %mul3A_2, %add3A_30 : i32
    "tpu.region"() ({
      %run_scoped3A = tpu.sem_alloc : memref<!tpu.dma_semaphore, #tpu.memory_space<semaphore_mem>>
      %dma_start3A_32 = tpu.memref_slice %arg5[%add3A_31] : memref<320000xf32, #tpu.memory_space<hbm>> -> memref<80xf32, #tpu.memory_space<hbm>>
      %dma_start3A_33 = tpu.memref_slice %arg5[%add3A_31] : memref<320000xf32, #tpu.memory_space<hbm>> -> memref<80xf32, #tpu.memory_space<hbm>>
      tpu.enqueue_dma source(%arg12 : memref<80xf32, #tpu.memory_space<vmem>>) target(%dma_start3A_33 : memref<80xf32, #tpu.memory_space<hbm>>) target_semaphore(%run_scoped3A : memref<!tpu.dma_semaphore, #tpu.memory_space<semaphore_mem>>)
      %dma_wait3A_34 = tpu.memref_slice %arg5[%add3A_31] : memref<320000xf32, #tpu.memory_space<hbm>> -> memref<80xf32, #tpu.memory_space<hbm>>
      %dma_wait3A_35 = tpu.memref_slice %arg5[%add3A_31] : memref<320000xf32, #tpu.memory_space<hbm>> -> memref<80xf32, #tpu.memory_space<hbm>>
      tpu.wait_dma2 semaphore(%run_scoped3A : memref<!tpu.dma_semaphore, #tpu.memory_space<semaphore_mem>>) src(%arg12 : memref<80xf32, #tpu.memory_space<vmem>>) dst(%dma_wait3A_35 : memref<80xf32, #tpu.memory_space<hbm>>)
      tpu.yield
    }) : () -> ()
    return
  }
}

</mosaic_0001>

<sc_bundles>
// kernel: kernel.3.cloned.1.call-start
scs
__scs_entry_jumppad:
0x0: {  	(pc) =	sbr.rel $0x88, $3  }
0x1: {  	(tag) =	ssettag $0x0;
	lr =	simm.s32 $0x1  }
0x2: {  	[smem:$0x3F9F] =	sst lr;
	_ =	strace $0xD0000000  }
0x3: {  	_ = 	snop  }
0x4: {  	_ = 	snop  }
0x5: {  	_ = 	snop  }
0x6: {  	_ = 	snop  }
0x7: {  	_ = 	snop  }
__scs_overlays_trampoline_lowered:
0x8: {  	[smem:$0x3FAE] =	sst s0  }
0x9: {  	[smem:$0x3FAF] =	sst s1  }
0xa: {  	[smem:$0x3FB0] =	sst s2  }
0xb: {  	[smem:$0x3FB1] =	sst s3  }
0xc: {  	[smem:$0x3FB2] =	sst s4  }
0xd: {  	[smem:$0x3FB3] =	sst s5  }
0xe: {  	[smem:$0x3FB4] =	sst s6  }
0xf: {  	[smem:$0x3FB5] =	sst s7  }
0x10: {  	[smem:$0x3FB6] =	sst s8  }
0x11: {  	[smem:$0x3FB7] =	sst s9;
	s0 =	simm.s32 @!p0 $0x0  }
0x12: {  	s1 =	sld [smem:$0x3F9D];
	s0 =	simm.s32 @p0 $0x1  }
0x13: {  	[smem:$0x3FB8] =	sst s0;
	s0 =	simm.s32 @!p1 $0x0  }
0x14: {  	s2 =	sld [smem:$0x3F9C];
	s0 =	simm.s32 @p1 $0x1  }
0x15: {  	[smem:$0x3FB9] =	sst s0;
	s0 =	simm.s32 @!p2 $0x0  }
0x16: {  	s3 =	sld [smem:$0x3FDB];
	s0 =	simm.s32 @p2 $0x1  }
0x17: {  	s4 =	simm.s32 $0x1BF5;
	[smem:$0x3FBB] =	sst s0  }
0x18: {  	s0 =	sld [smem:$0x3F9E];
	_ =	swait.ge [sflag:s4], $0x0  }
0x19: {  	s7 =	sld [smem:$0x3F9F]  }
0x1a: {  	s8 =	sadd.s32 $0xFFFFE003, lr  }
0x1b: {  	s9 =	sadd.s32 $0xFFFFFEF7, lr;
	s5 =	simm.s32 $0xFFFFFFFF;
	p2 =	slt.u32 s8, $0xFFFFF086  }
0x1c: {  	p1 =	slt.u32 s9, $0xF7A;
	s5 =	simm.s32 @!p2 $0x0  }
0x1d: {  	s5 =	simm.s32 @p1 $0x1;
	p0 =	seq.s32 s7, s2  }
0x1e: {  	s7 =	smul.u32 @!p0 $0xF7A, s2;
	p2 =	seq.s32 @!p0 s5, $0x0  }
0x1f: {  	s9 =	smul.u32 $0xF7A, s1;
	s8 =	simm.s32 @!p0 $0x1BF5;
	p2 =	por !p2, p0  }
0x20: {  	[sflag:s8] =	ssyncset.s32 @!p0 $0xFFFFF086;
	s6 =	sadd.s32 @!p0 s3, s7;
	s7 =	simm.s32 @!p0 $0x108  }
0x21: {  	s3 =	sadd.s32 s3, s9;
	s6 =	sadd.s32 @!p0 $0x88, s6;
	s7 =	simm.s32 @p2 $0x1082  }
0x22: {  	[simem:s7], [sflag:s8] =	dma.local @!p0 [hbm:s6], $0xF7A  }
0x23: {  	s9 =	sor.u32 $0xD0000000, s2;
	s6 =	simm.s32 $0x108;
	_ =	swait.ge @!p0 [sflag:s8], $0x0  }
0x24: {  	s3 =	sadd.s32 $0x88, s3;
	s6 =	simm.s32 @!p1 $0x1082;
	[sflag:s4] =	ssyncset.s32 $0xFFFFF086  }
0x25: {  	[simem:s6], [sflag:s4] =	dma.local [hbm:s3], $0xF7A  }
0x26: {  	[smem:$0x3F9F] =	sst s1;
	(tag) =	ssettag s2;
	_ =	strace s9  }
0x27: {  	s1 =	sld [smem:$0x3FAF]  }
0x28: {  	s2 =	sld [smem:$0x3FB0]  }
0x29: {  	s4 =	sld [smem:$0x3FB2]  }
0x2a: {  	p0 =	seq.s32 s5, $0x0;
	s5 =	sld [smem:$0x3FB3]  }
0x2b: {  	s6 =	sld [smem:$0x3FB4]  }
0x2c: {  	s7 =	sld [smem:$0x3FB5]  }
0x2d: {  	s3 =	simm.s32 $0x108;
	s8 =	sld [smem:$0x3FB6]  }
0x2e: {  	s3 =	simm.s32 @!p0 $0x1082;
	s9 =	sld [smem:$0x3FB7]  }
0x2f: {  	lr =	sadd.s32 s0, s3;
	s0 =	sld [smem:$0x3FAE]  }
0x30: {  	s3 =	sld [smem:$0x3FB1]  }
0x31: {  	[smem:$0x3FBA] =	sst s10  }
0x32: {  	s10 =	sld [smem:$0x3FB8];
	_ =	sdelay $0x3  }
0x33: {  	p0 =	seq.s32 s10, $0x1;
	s10 =	sld [smem:$0x3FBA];
	_ =	sdelay $0x3  }
0x34: {  	[smem:$0x3FBA] =	sst s10  }
0x35: {  	s10 =	sld [smem:$0x3FB9];
	_ =	sdelay $0x3  }
0x36: {  	p1 =	seq.s32 s10, $0x1;
	s10 =	sld [smem:$0x3FBA];
	_ =	sdelay $0x3  }
0x37: {  	[smem:$0x3FBA] =	sst s10  }
0x38: {  	s10 =	sld [smem:$0x3FBB]  }
0x39: {  	_ = 	snop;
	(pc) =	sbr.ind lr, $3  }
0x3a: {  	_ = 	snop  }
0x3b: {  	_ = 	snop  }
0x3c: {  	p2 =	seq.s32 s10, $0x1;
	s10 =	sld [smem:$0x3FBA]  }
0x3d: {  	_ =	shalt  }
0x3e: {  	_ =	shalt  }
0x3f: {  	_ =	shalt  }
0x40: {  	_ =	shalt  }
0x41: {  	_ =	shalt  }
0x42: {  	_ =	shalt  }
0x43: {  	_ =	shalt  }
0x44: {  	_ =	shalt  }
0x45: {  	_ =	shalt  }
0x46: {  	_ =	shalt  }
0x47: {  	_ =	shalt  }
0x48: {  	_ =	shalt  }
0x49: {  	_ =	shalt  }
0x4a: {  	_ =	shalt  }
0x4b: {  	_ =	shalt  }
0x4c: {  	_ =	shalt  }
0x4d: {  	_ =	shalt  }
0x4e: {  	_ =	shalt  }
0x4f: {  	_ =	shalt  }
0x50: {  	_ =	shalt  }
0x51: {  	_ =	shalt  }
0x52: {  	_ =	shalt  }
0x53: {  	_ =	shalt  }
0x54: {  	_ =	shalt  }
0x55: {  	_ =	shalt  }
0x56: {  	_ =	shalt  }
0x57: {  	_ =	shalt  }
0x58: {  	_ =	shalt  }
0x59: {  	_ =	shalt  }
0x5a: {  	_ =	shalt  }
0x5b: {  	_ =	shalt  }
0x5c: {  	_ =	shalt  }
0x5d: {  	_ =	shalt  }
0x5e: {  	_ =	shalt  }
0x5f: {  	_ =	shalt  }
0x60: {  	_ =	shalt  }
0x61: {  	_ =	shalt  }
0x62: {  	_ =	shalt  }
0x63: {  	_ =	shalt  }
0x64: {  	_ =	shalt  }
0x65: {  	_ =	shalt  }
0x66: {  	_ =	shalt  }
0x67: {  	_ =	shalt  }
0x68: {  	_ =	shalt  }
0x69: {  	_ =	shalt  }
0x6a: {  	_ =	shalt  }
0x6b: {  	_ =	shalt  }
0x6c: {  	_ =	shalt  }
0x6d: {  	_ =	shalt  }
0x6e: {  	_ =	shalt  }
0x6f: {  	_ =	shalt  }
0x70: {  	_ =	shalt  }
0x71: {  	_ =	shalt  }
0x72: {  	_ =	shalt  }
0x73: {  	_ =	shalt  }
0x74: {  	_ =	shalt  }
0x75: {  	_ =	shalt  }
0x76: {  	_ =	shalt  }
0x77: {  	_ =	shalt  }
0x78: {  	_ =	shalt  }
0x79: {  	_ =	shalt  }
0x7a: {  	_ =	shalt  }
0x7b: {  	_ =	shalt  }
0x7c: {  	_ =	shalt  }
0x7d: {  	_ =	shalt  }
0x7e: {  	_ =	shalt  }
0x7f: {  	_ =	shalt  }
0x80: {  	_ =	shalt  }
0x81: {  	_ =	shalt  }
0x82: {  	_ =	shalt  }
0x83: {  	_ =	shalt  }
0x84: {  	_ =	shalt  }
0x85: {  	_ =	shalt  }
0x86: {  	_ =	shalt  }
0x87: {  	_ =	shalt  }
.Lfunc_end0:
.L_simem_size_0:
called_computation_lowered:
.L_overlay_start_0:
0x88: {  	s2 =	sld [smem:$0x3FD9]  }
0x89: {  	s3 =	sld [smem:$0x3FFE];
	_ =	sdelay $0x1  }
0x8a: {  	s1 =	srdreg.scid  }
0x8b: {  	s0 =	sand.u32 $0x1, s1  }
0x8c: {  	s17 =	sshll.u32 s0, $0xA;
	s2 =	sadd.s32 s3, s2  }
0x8d: {  	s2 =	sadd.s32 s2, s17  }
0x8e: {  	[smem:$0x3FC6] =	sst s2  }
0x8f: {  	_ = 	snop  }
0x90: {  	s2 =	sld [smem:$0x3FC9];
	(tm) =	ssettm $0x1  }
0x91: {  	s18 =	sld [smem:$0x3FFB];
	_ =	sdelay $0x3  }
0x92: {  	_ =	strace s18  }
0x93: {  	s3 =	sld [smem:$0x3FFC];
	_ =	sdelay $0x3  }
0x94: {  	_ =	strace s3  }
0x95: {  	s3 =	sld [smem:$0x3FFD];
	_ =	sdelay $0x3  }
0x96: {  	_ =	strace s3  }
0x97: {  	_ =	strace $0x8FFFFFFF  }
0x98: {  	s19 =	sld [smem:$0x3FDB];
	_ =	sdelay $0x1  }
0x99: {  	s4 =	simm.s32 $_scs_section_size  }
0x9a: {  	s5 =	simm.s32 $_size__tile_overlayer_lowered;
	s6 =	simm.s32 $_tile_overlayer_lowered  }
0x9b: {  	s22 =	simm.s32 $0x1BFF;
	s21 =	sshll.u32 s6, $0x1;
	s3 =	sadd.s32 s4, s19  }
0x9c: {  	s7 =	simm.s32 $0x0;
	s20 =	sshll.u32 s5, $0x1;
	s5 =	sadd.s32 s21, s3  }
0x9d: {  	[timem:s7], [sflag:s22] =	dma.local [hbm:s5], s20  }
0x9e: {  	_ =	swait.ge [sflag:s22], s20  }
0x9f: {  	s4 =	ssub.s32 $0x0, s20;
	[sflag:s22] =	ssyncset.done $0x0  }
0xa0: {  	[sflag:s22] =	ssyncadd.s32 s4;
	_ =	sdelay $0x1  }
0xa1: {  	s23 =	simm.s32 $0x1B8B  }
0xa2: {  	_ =	swait.ge [sflag:s23], $0x1  }
0xa3: {  	[sflag:s23] =	ssyncset.done $0x0  }
0xa4: {  	s25 =	simm.s32 $0x1B8E;
	s24 =	sld [smem:$0x3FFE];
	[sflag:s23] =	ssyncadd.s32 $0xFFFFFFFF  }
0xa5: {  	s26 =	simm.s32 $execute0_lowered;
	[smem:$0x3FD2] =	sst s25  }
0xa6: {  	s5 =	sshll.u32 s26, $0x1;
	_ =	strace $0x80000046;
	[dreg:$0x1] =	wrdreg $0xFFFFFFFF  }
0xa7: {  	s28 =	simm.s32 $_size_execute0_lowered;
	s3 =	sadd.s32 s3, s5;
	[dreg:$0x0] =	wrdreg $0x0  }
0xa8: {  	s5 =	sshll.u32 s28, $0x1;
	[dreg:$0x2] =	wrdreg s3  }
0xa9: {  	[dreg:$0x3] =	wrdreg s5  }
0xaa: {  	[dreg:$0x4] =	wrdreg $0xC0  }
0xab: {  	_ =	task [dreg:s7], $0x5FFFF  }
0xac: {  	[dreg:$0x1] =	wrdreg $0xFFFFFFFF  }
0xad: {  	[dreg:$0x0] =	wrdreg $0x60  }
0xae: {  	[dreg:$0x2] =	wrdreg s2  }
0xaf: {  	[dreg:$0x3] =	wrdreg s24  }
0xb0: {  	[dreg:$0x4] =	wrdreg $0x9  }
0xb1: {  	_ =	task.clear_ibuf [dreg:s7], $0x5FFFF;
	_ =	strace $0x90000046  }
0xb2: {  	s29 =	simm.s32 $0x9;
	_ =	strace $0x80000048  }
0xb3: {  	_ =	swait.ge [sflag:s29], $0x1  }
0xb4: {  	[sflag:s29] =	ssyncadd.s32 $0xFFFFFFFF  }
0xb5: {  	_ =	strace $0x90000048  }
0xb6: {  	_ =	sfence  }
0xb7: {  	s30 =	sld [smem:$0x0];
	_ =	sdelay $0x2  }
0xb8: {  	s31 =	sshll.u32 s1, $0xD;
	s1 =	sshrl.u32 s1, $0x2  }
0xb9: {  	s3 =	sand.u32 $0x4000, s31;
	s1 =	sadd.s32 s1, s30  }
0xba: {  	s0 =	sor.u32 s3, s0;
	s1 =	sshll.u32 s1, $0x11  }
0xbb: {  	s0 =	sor.u32 s1, s0  }
0xbc: {  	s0 =	sadd.s32 $0x8F2B, s0  }
0xbd: {  	[sflag:s0] =	ssyncadd.remote.s32 $0x1  }
0xbe: {  	_ =	sfence.sel $0xFFFF  }
0xbf: {  	[dreg:$0x0] =	wrdreg $0xFFFFFFFF;
	(pc) =	sbr.abs _section_cstart, $3  }
0xc0: {  	[dreg:$0x1] =	wrdreg $0xFFFFFFFF  }
0xc1: {  	_ =	task.clear_ibuf [dreg:s7], $0x2FFFF;
	_ =	strace $0x9FFFFFFF  }
0xc2: {  	(tm) =	ssettm $0x7FFFFFFF  }
0xc3: {  	_ =	shalt  }
tec
execute0_lowered:
.L_overlay_start_1:
0x0: {  	(tag) =	ssettag $0x1  }
0x1: {  	s2 =	rddreg [dreg:$0x0];
	s0 =	srdreg.scid  }
0x2: {  	s3 =	stileid.u32;
	s1 =	rddreg [dreg:$0x1];
	s10 =	simm.s32 $0x3  }
0x3: {  	s12 =	simm.s32 $0x50;
	s13 =	simm.s32 $0x4F00;
	s14 =	simm.s32 $0x7700  }
0x4: {  	s15 =	simm.s32 $0x9F00;
	s16 =	simm.s32 $0xC700;
	s17 =	simm.s32 $0x1  }
0x5: {  	s18 =	simm.s32 $0xEF00;
	s0 =	sand.u32 $0x1, s0;
	s4 =	sshll.u32 s3, $0x1  }
0x6: {  	s19 =	simm.s32 $0x2;
	s20 =	simm.s32 $0xEF80;
	s4 =	sor.u32 s0, s4  }
0x7: {  	s21 =	simm.s32 $0x0;
	s3 =	simm.s32 $0x0;
	s4 =	smul.u32 $0x2710, s4  }
0x8: {  	s5 =	sadd.s32 $0x13C00, s1;
	[smem:$0x7FF] =	sst s3;
	s0 =	ssub.s32 $0x2, s0  }
0x9: {  	_ =	strace $0x80000047;
	s6 =	sshrl.u32 s0, $0x1;
	s7 =	sshrl.u32 s4, $0x3  }
0xa: {  	s0 =	ssub.s32 s0, s6;
	s6 =	sadd.s32 s1, s7;
	s31 =	sadd.s32 s5, s7  }
0xb: {  	v0 =	vlaneseq.u32;
	s9 =	smax.u32 s0, $0x1;
	s7 =	sadd.s32 $0x9E00, s6;
	s8 =	sadd.s32 $0x4D8, s31  }
.LBB2_1:
0xc: {  	[tilespmem:s3], [sflag:$0x3] =	stream.linear.gather [hbm4b:s7+s3], $0x2710, $0x38;
	[tilespmem:$0xF000] =	vst v63  }
0xd: {  	_ =	swait.ge [sflag:s10], $0x2710  }
0xe: {  	[sflag:s10] =	ssyncset.done $0x0  }
0xf: {  	s0 =	simm.s32 $0x2780;
	[sflag:s10] =	ssyncadd.s32 $0xFFFFD8F0  }
0x10: {  	[tilespmem:s0], [sflag:$0x3] =	stream.linear.gather [hbm4b:s6+s3], $0x2710, $0x38;
	[tilespmem:$0xF000] =	vst v63  }
0x11: {  	_ =	swait.ge [sflag:s10], $0x2710  }
0x12: {  	[sflag:s10] =	ssyncset.done $0x0  }
0x13: {  	[sflag:s10] =	ssyncadd.s32 $0xFFFFD8F0  }
0x14: {  	[tilespmem:s13], [sflag:$0x1] =	stream.indirect.gather [hbm4b:s2+s12], $0x80, s3, s12, $0xb8;
	[tilespmem:$0xF000] =	vst v63  }
0x15: {  	s22 =	simm.s32 $0x0  }
0x16: {  	[tilespmem:s14], [sflag:$0x1] =	stream.indirect.gather [hbm4b:s2+s12], $0x80, s0, s12, $0xb8;
	[tilespmem:$0xF000] =	vst v63  }
.LBB2_2:
0x17: {  	s24 =	smul.u32 $0xA0, s22;
	_ =	sdelay $0x1  }
0x18: {  	s23 =	sadd.s32 $0x50, s24  }
0x19: {  	[tilespmem:s15], [sflag:$0x2] =	stream.indirect.gather [hbm4b:s2+s12], $0x80, s23, s12, $0xb8;
	[tilespmem:$0xF000] =	vst v63  }
0x1a: {  	s0 =	sadd.s32 $0x27D0, s24  }
0x1b: {  	[tilespmem:s16], [sflag:$0x2] =	stream.indirect.gather [hbm4b:s2+s12], $0x80, s0, s12, $0xb8;
	[tilespmem:$0xF000] =	vst v63  }
0x1c: {  	_ =	swait.ge [sflag:s17], $0x2800  }
0x1d: {  	[sflag:s17] =	ssyncset.done $0x0  }
0x1e: {  	[sflag:s17] =	ssyncadd.s32 $0xFFFFD800  }
0x1f: {  	_ =	swait.ge [sflag:s17], $0x2800  }
0x20: {  	s25 =	simm.s32 $0x0;
	s26 =	simm.s32 $0x7780;
	[sflag:s17] =	ssyncset.done $0x0  }
0x21: {  	s28 =	simm.s32 $0x4F80;
	s29 =	simm.s32 $0x0;
	[sflag:s17] =	ssyncadd.s32 $0xFFFFD800  }
.LBB2_3:
0x22: {  	v4 =	vld [tilespmem:s28+$0x70]  }
0x23: {  	v5 =	vld [tilespmem:s26+$0x70]  }
0x24: {  	v1 =	vld [tilespmem:s28+$0x60]  }
0x25: {  	v3 =	vld [tilespmem:s26+$0x60]  }
0x26: {  	v2 =	vld [tilespmem:s28+$0x50]  }
0x27: {  	v6 =	vld [tilespmem:s26+$0x50]  }
0x28: {  	v7 =	vld [tilespmem:s28+$0x40]  }
0x29: {  	v8 =	vld [tilespmem:s26+$0x40]  }
0x2a: {  	v9 =	vld [tilespmem:s28+$0x30]  }
0x2b: {  	v10 =	vld [tilespmem:s26+$0x30]  }
0x2c: {  	v11 =	vld [tilespmem:s28+$0x20]  }
0x2d: {  	v12 =	vld [tilespmem:s26+$0x20]  }
0x2e: {  	v13 =	vld [tilespmem:s28+$0x0]  }
0x2f: {  	v14 =	vld [tilespmem:s26+$0x0]  }
0x30: {  	v15 =	vld [tilespmem:s28+$0x10]  }
0x31: {  	v16 =	vld [tilespmem:s26+$0x10]  }
0x32: {  	v17 =	vld [tilespmem:s28+$0xFFFFFF80]  }
0x33: {  	v18 =	vld [tilespmem:s26+$0xFFFFFF80]  }
0x34: {  	v19 =	vld [tilespmem:s28+$0xFFFFFF90]  }
0x35: {  	v20 =	vld [tilespmem:s26+$0xFFFFFF90]  }
0x36: {  	v21 =	vld [tilespmem:s28+$0xFFFFFFA0]  }
0x37: {  	v22 =	vld [tilespmem:s26+$0xFFFFFFA0]  }
0x38: {  	v23 =	vld [tilespmem:s28+$0xFFFFFFB0]  }
0x39: {  	v13 =	vmul.f32 v14, v13;
	v14 =	vmul.f32 v16, v15;
	v15 =	vld [tilespmem:s26+$0xFFFFFFB0]  }
0x3a: {  	v16 =	vmul.f32 v18, v17;
	v17 =	vmul.f32 v20, v19;
	v18 =	vld [tilespmem:s28+$0xFFFFFFC0]  }
0x3b: {  	v11 =	vmul.f32 v12, v11;
	v12 =	vld [tilespmem:s26+$0xFFFFFFC0];
	v13 =	vadd.f32 v14, v13  }
0x3c: {  	v9 =	vmul.f32 v10, v9;
	v10 =	vld [tilespmem:s26+$0xFFFFFFD0];
	v14 =	vadd.f32 v17, v16;
	v16 =	vmul.f32 v22, v21  }
0x3d: {  	v17 =	vld [tilespmem:s28+$0xFFFFFFD0];
	v11 =	vadd.f32 v11, v13  }
0x3e: {  	v7 =	vmul.f32 v8, v7;
	v8 =	vld [tilespmem:s26+$0xFFFFFFE0];
	v13 =	vadd.f32 v16, v14;
	v14 =	vmul.f32 v15, v23  }
0x3f: {  	v15 =	vld [tilespmem:s28+$0xFFFFFFE0];
	v9 =	vadd.f32 v9, v11  }
0x40: {  	v12 =	vmul.f32 v12, v18;
	v11 =	vadd.f32 v14, v13;
	v13 =	vld [tilespmem:s28+$0xFFFFFFF0]  }
0x41: {  	s31 =	sadd.s32 $0x100, s26;
	v6 =	vmul.f32 v6, v2;
	v7 =	vadd.f32 v7, v9;
	v9 =	vld [tilespmem:s26+$0xFFFFFFF0]  }
0x42: {  	v24 =	vld [tilespmem:s31+$0x10];
	v10 =	vmul.f32 v10, v17;
	v11 =	vadd.f32 v12, v11  }
0x43: {  	s30 =	sadd.s32 $0x100, s28;
	v25 =	vld [tilespmem:s31+$0xFFFFFF90];
	v6 =	vadd.f32 v6, v7;
	v7 =	vmul.f32 v3, v1  }
0x44: {  	v2 =	vld [tilespmem:s30+$0x70];
	v8 =	vmul.f32 v8, v15;
	v10 =	vadd.f32 v10, v11  }
0x45: {  	v4 =	vmul.f32 v5, v4;
	v5 =	vld [tilespmem:s31+$0x60];
	v7 =	vadd.f32 v7, v6  }
0x46: {  	v19 =	vld [tilespmem:s30+$0x0];
	v10 =	vadd.f32 v8, v10;
	v9 =	vmul.f32 v9, v13  }
0x47: {  	v20 =	vld [tilespmem:s31+$0x0];
	v4 =	vadd.f32 v4, v7  }
0x48: {  	v22 =	vld [tilespmem:s30+$0x10];
	v11 =	vadd.f32 v9, v10  }
0x49: {  	v21 =	vld [tilespmem:s31+$0xFFFFFF80];
	(xrf2) =	vadd.scan.msk.f32 $0xffff, v4  }
0x4a: {  	v18 =	vld [tilespmem:s30+$0xFFFFFF80];
	(xrf2) =	vadd.scan.msk.f32 $0xffff, v11  }
0x4b: {  	v23 =	vld [tilespmem:s30+$0xFFFFFF90]  }
0x4c: {  	v14 =	vld [tilespmem:s31+$0x20]  }
0x4d: {  	v1 =	vld [tilespmem:s31+$0x70]  }
0x4e: {  	v3 =	vld [tilespmem:s30+$0x60]  }
0x4f: {  	v6 =	vld [tilespmem:s30+$0x50]  }
0x50: {  	v8 =	vld [tilespmem:s30+$0x40]  }
0x51: {  	v13 =	vld [tilespmem:s30+$0x20]  }
0x52: {  	v7 =	vld [tilespmem:s31+$0x50]  }
0x53: {  	v9 =	vld [tilespmem:s31+$0x40];
	v12, _, _ =	vpop (xrf2)  }
0x54: {  	s11 =	simm.s32 $0x1;
	v16 =	vmov s25;
	v10 =	vld [tilespmem:s30+$0x30];
	v15, _, _ =	vpop (xrf2)  }
0x55: {  	s1 =	simm.s32 $0x2;
	s0 =	simm.s32 $0x4;
	v17 =	vmov s11;
	v4 =	vimm.f32 $0.0e+00;
	v11 =	vld [tilespmem:s31+$0x30];
	v15 =	vbroadcast v15, $0xF  }
.LBB2_4:
0x56: {  	p0 =	sne.s32 s0, $0xE;
	v26 =	vld [tilespmem:s30+$0xFFFFFFA0];
	vm0 =	veq.s32 v16, v0;
	vm1 =	veq.s32 v17, v0;
	v12 =	vbroadcast v12, $0xF  }
0x57: {  	v17 =	vmul.f32 v20, v19;
	v19 =	vmul.f32 v24, v22;
	v16 =	vld [tilespmem:s31+$0xFFFFFFA0];
	v4 =	vsel vm0, v15, v4  }
0x58: {  	v15 =	vld [tilespmem:s30+$0xFFFFFFB0];
	v4 =	vsel vm1, v12, v4  }
0x59: {  	v13 =	vmul.f32 v14, v13;
	v17 =	vadd.f32 v19, v17;
	v12 =	vld [tilespmem:s31+$0xFFFFFFB0]  }
0x5a: {  	v14 =	vmul.f32 v21, v18;
	v18 =	vmul.f32 v25, v23;
	v19 =	vld [tilespmem:s30+$0xFFFFFFC0]  }
0x5b: {  	v10 =	vmul.f32 v11, v10;
	v13 =	vadd.f32 v13, v17;
	v20 =	vld [tilespmem:s31+$0xFFFFFFC0]  }
0x5c: {  	v11 =	vadd.f32 v18, v14;
	v14 =	vmul.f32 v16, v26;
	v16 =	vld [tilespmem:s30+$0xFFFFFFD0]  }
0x5d: {  	v8 =	vmul.f32 v9, v8;
	v10 =	vadd.f32 v10, v13;
	v17 =	vld [tilespmem:s31+$0xFFFFFFD0]  }
0x5e: {  	v9 =	vadd.f32 v14, v11;
	v11 =	vmul.f32 v12, v15;
	v12 =	vld [tilespmem:s30+$0xFFFFFFE0]  }
0x5f: {  	v6 =	vmul.f32 v7, v6;
	v8 =	vadd.f32 v8, v10;
	v13 =	vld [tilespmem:s31+$0xFFFFFFE0]  }
0x60: {  	v7 =	vadd.f32 v11, v9;
	v9 =	vmul.f32 v20, v19;
	v10 =	vld [tilespmem:s30+$0xFFFFFFF0]  }
0x61: {  	v3 =	vmul.f32 v5, v3;
	v6 =	vadd.f32 v6, v8;
	s30 =	sadd.s32 $0x100, s30;
	v11 =	vld [tilespmem:s31+$0xFFFFFFF0]  }
0x62: {  	s31 =	sadd.s32 $0x100, s31;
	v8 =	vld [tilespmem:s30+$0x70];
	v5 =	vadd.f32 v9, v7;
	v7 =	vmul.f32 v17, v16  }
0x63: {  	v2 =	vmul.f32 v1, v2;
	v6 =	vadd.f32 v3, v6;
	v1 =	vld [tilespmem:s31+$0x70]  }
0x64: {  	v3 =	vld [tilespmem:s30+$0x60];
	v7 =	vadd.f32 v7, v5;
	v9 =	vmul.f32 v13, v12  }
0x65: {  	v12 =	vadd.f32 v2, v6;
	v5 =	vld [tilespmem:s31+$0x60]  }
0x66: {  	v6 =	vld [tilespmem:s30+$0x50];
	v9 =	vadd.f32 v9, v7;
	v10 =	vmul.f32 v11, v10  }
0x67: {  	v7 =	vld [tilespmem:s31+$0x50];
	(xrf2) =	vadd.scan.msk.f32 $0xffff, v12;
	v2 =	vmov v8  }
0x68: {  	v8 =	vld [tilespmem:s30+$0x40];
	v11 =	vadd.f32 v10, v9  }
0x69: {  	v9 =	vld [tilespmem:s31+$0x40]  }
0x6a: {  	v10 =	vld [tilespmem:s30+$0x30];
	(xrf2) =	vadd.scan.msk.f32 $0xffff, v11  }
0x6b: {  	v11 =	vld [tilespmem:s31+$0x30]  }
0x6c: {  	v13 =	vld [tilespmem:s30+$0x20]  }
0x6d: {  	v14 =	vld [tilespmem:s31+$0x20]  }
0x6e: {  	v19 =	vld [tilespmem:s30+$0x0]  }
0x6f: {  	v20 =	vld [tilespmem:s31+$0x0]  }
0x70: {  	v22 =	vld [tilespmem:s30+$0x10]  }
.Ltmp0:
0x71: {  	v24 =	vld [tilespmem:s31+$0x10];
	v12, _, _ =	vpop (xrf2);
	(pc) =	sbr.rel @p0 .LBB2_4-.Ltmp0, $4  }
0x72: {  	v18 =	vld [tilespmem:s30+$0xFFFFFF80]  }
0x73: {  	v21 =	vld [tilespmem:s31+$0xFFFFFF80]  }
0x74: {  	s11 =	sadd.s32 $0x1, s1;
	v23 =	vld [tilespmem:s30+$0xFFFFFF90];
	v15, _, _ =	vpop (xrf2)  }
0x75: {  	v16 =	vmov s1;
	v17 =	vmov s11;
	s1 =	smov.u32 s0;
	s0 =	sadd.s32 $0x2, s0;
	v25 =	vld [tilespmem:s31+$0xFFFFFF90];
	v15 =	vbroadcast v15, $0xF  }
0x76: {  	v26 =	vld [tilespmem:s30+$0xFFFFFFA0]  }
0x77: {  	v27 =	vld [tilespmem:s31+$0xFFFFFFA0]  }
0x78: {  	v28 =	vld [tilespmem:s30+$0xFFFFFFB0]  }
0x79: {  	v19 =	vmul.f32 v20, v19;
	v44 =	vmul.f32 v24, v22;
	v45 =	vld [tilespmem:s31+$0xFFFFFFB0]  }
0x7a: {  	v47 =	vld [tilespmem:s30+$0xFFFFFFC0];
	v18 =	vmul.f32 v21, v18;
	v46 =	vmul.f32 v25, v23  }
0x7b: {  	v13 =	vmul.f32 v14, v13;
	v48 =	vld [tilespmem:s31+$0xFFFFFFC0];
	v19 =	vadd.f32 v44, v19  }
0x7c: {  	v50 =	vld [tilespmem:s30+$0xFFFFFFD0];
	v49 =	vmul.f32 v27, v26;
	v18 =	vadd.f32 v46, v18  }
0x7d: {  	v10 =	vmul.f32 v11, v10;
	v51 =	vld [tilespmem:s31+$0xFFFFFFD0];
	v13 =	vadd.f32 v13, v19  }
0x7e: {  	v53 =	vld [tilespmem:s30+$0xFFFFFFE0];
	v52 =	vmul.f32 v45, v28;
	v18 =	vadd.f32 v49, v18  }
0x7f: {  	v8 =	vmul.f32 v9, v8;
	v54 =	vld [tilespmem:s31+$0xFFFFFFE0];
	v10 =	vadd.f32 v10, v13  }
0x80: {  	v56 =	vld [tilespmem:s30+$0xFFFFFFF0];
	v14 =	vmul.f32 v48, v47;
	v55 =	vadd.f32 v52, v18  }
0x81: {  	v6 =	vmul.f32 v7, v6;
	v57 =	vld [tilespmem:s31+$0xFFFFFFF0];
	v8 =	vadd.f32 v8, v10  }
0x82: {  	v11 =	vmul.f32 v51, v50;
	v58 =	vadd.f32 v14, v55  }
0x83: {  	v3 =	vmul.f32 v5, v3;
	v6 =	vadd.f32 v6, v8  }
0x84: {  	v60 =	vmul.f32 v54, v53;
	v59 =	vadd.f32 v11, v58  }
0x85: {  	v1 =	vmul.f32 v1, v2;
	v3 =	vadd.f32 v3, v6  }
0x86: {  	v61 =	vmul.f32 v57, v56;
	v2 =	vadd.f32 v60, v59  }
0x87: {  	v1 =	vadd.f32 v1, v3  }
0x88: {  	v2 =	vadd.f32 v61, v2  }
0x89: {  	(xrf2) =	vadd.scan.msk.f32 $0xffff, v1  }
0x8a: {  	(xrf2) =	vadd.scan.msk.f32 $0xffff, v2;
	_ =	sdelay $0x8  }
0x8b: {  	vm0 =	veq.s32 v16, v0;
	s31 =	sshll.u32 s29, $0x4;
	s29 =	sadd.s32 $0x1, s29;
	v1 =	vbroadcast v12, $0xF;
	v2, _, _ =	vpop (xrf2)  }
0x8c: {  	vm1 =	veq.s32 v17, v0;
	p0 =	sne.s32 s29, $0x5;
	v3 =	vsel vm0, v15, v4;
	v62, _, _ =	vpop (xrf2)  }
.Ltmp1:
0x8d: {  	s0 =	sadd.s32 $0x1, s1;
	v1 =	vsel vm1, v1, v3;
	v3 =	vmov s1;
	v4 =	vbroadcast v62, $0xF;
	(pc) =	sbr.rel @p0 .LBB2_3-.Ltmp1, $4  }
0x8e: {  	v63 =	vmov s0;
	vm14 =	veq.s32 v3, v0;
	v2 =	vbroadcast v2, $0xF  }
0x8f: {  	vm15 =	veq.s32 v63, v0;
	v1 =	vsel vm14, v4, v1  }
0x90: {  	s0 =	sand.u32 $0x3FFFFFF0, s31;
	v1 =	vsel vm15, v2, v1  }
0x91: {  	s26 =	sadd.s32 $0x800, s26;
	s28 =	sadd.s32 $0x800, s28;
	[tilespmem:s0+$0xEF00] =	vst v1  }
0x92: {  	s0 =	sadd.s32 s4, s24  }
0x93: {  	s0 =	sshrl.u32 s0, $0x3  }
0x94: {  	s25 =	simm.s32 $0x0;
	s0 =	sadd.s32 s5, s0  }
0x95: {  	[hbm4b:s0+s25] =	stream.linear.scatter [tilespmem:s18], [sflag:$0x3], $0x50, $0x38;
	[tilespmem:$0xF000] =	vst v63  }
0x96: {  	_ =	swait.ge [sflag:s10], $0x50  }
0x97: {  	[sflag:s10] =	ssyncset.done $0x0  }
0x98: {  	s30 =	sadd.s32 $0xA0, s24;
	[sflag:s10] =	ssyncadd.s32 $0xFFFFFFB0  }
0x99: {  	[tilespmem:s13], [sflag:$0x1] =	stream.indirect.gather [hbm4b:s2+s12], $0x80, s30, s12, $0xb8;
	[tilespmem:$0xF000] =	vst v63  }
0x9a: {  	s31 =	sadd.s32 $0x2820, s24  }
0x9b: {  	[tilespmem:s14], [sflag:$0x1] =	stream.indirect.gather [hbm4b:s2+s12], $0x80, s31, s12, $0xb8;
	[tilespmem:$0xF000] =	vst v63  }
0x9c: {  	_ =	swait.ge [sflag:s19], $0x2800  }
0x9d: {  	[sflag:s19] =	ssyncset.done $0x0  }
0x9e: {  	[sflag:s19] =	ssyncadd.s32 $0xFFFFD800  }
0x9f: {  	_ =	swait.ge [sflag:s19], $0x2800  }
0xa0: {  	s24 =	simm.s32 $0xC780;
	[sflag:s19] =	ssyncset.done $0x0  }
0xa1: {  	s26 =	simm.s32 $0x9F80;
	s28 =	simm.s32 $0x0;
	[sflag:s19] =	ssyncadd.s32 $0xFFFFD800  }
.LBB2_7:
0xa2: {  	v4 =	vld [tilespmem:s26+$0x70]  }
0xa3: {  	v5 =	vld [tilespmem:s24+$0x70]  }
0xa4: {  	v1 =	vld [tilespmem:s26+$0x60]  }
0xa5: {  	v3 =	vld [tilespmem:s24+$0x60]  }
0xa6: {  	v2 =	vld [tilespmem:s26+$0x50]  }
0xa7: {  	v6 =	vld [tilespmem:s24+$0x50]  }
0xa8: {  	v7 =	vld [tilespmem:s26+$0x40]  }
0xa9: {  	v8 =	vld [tilespmem:s24+$0x40]  }
0xaa: {  	v9 =	vld [tilespmem:s26+$0x30]  }
0xab: {  	v10 =	vld [tilespmem:s24+$0x30]  }
0xac: {  	v11 =	vld [tilespmem:s26+$0x20]  }
0xad: {  	v12 =	vld [tilespmem:s24+$0x20]  }
0xae: {  	v13 =	vld [tilespmem:s26+$0x0]  }
0xaf: {  	v14 =	vld [tilespmem:s24+$0x0]  }
0xb0: {  	v15 =	vld [tilespmem:s26+$0x10]  }
0xb1: {  	v16 =	vld [tilespmem:s24+$0x10]  }
0xb2: {  	v17 =	vld [tilespmem:s26+$0xFFFFFF80]  }
0xb3: {  	v18 =	vld [tilespmem:s24+$0xFFFFFF80]  }
0xb4: {  	v19 =	vld [tilespmem:s26+$0xFFFFFF90]  }
0xb5: {  	v20 =	vld [tilespmem:s24+$0xFFFFFF90]  }
0xb6: {  	v21 =	vld [tilespmem:s26+$0xFFFFFFA0]  }
0xb7: {  	v22 =	vld [tilespmem:s24+$0xFFFFFFA0]  }
0xb8: {  	v23 =	vld [tilespmem:s26+$0xFFFFFFB0]  }
0xb9: {  	v13 =	vmul.f32 v14, v13;
	v14 =	vmul.f32 v16, v15;
	v15 =	vld [tilespmem:s24+$0xFFFFFFB0]  }
0xba: {  	v16 =	vmul.f32 v18, v17;
	v17 =	vmul.f32 v20, v19;
	v18 =	vld [tilespmem:s26+$0xFFFFFFC0]  }
0xbb: {  	v11 =	vmul.f32 v12, v11;
	v12 =	vld [tilespmem:s24+$0xFFFFFFC0];
	v13 =	vadd.f32 v14, v13  }
0xbc: {  	v9 =	vmul.f32 v10, v9;
	v10 =	vld [tilespmem:s24+$0xFFFFFFD0];
	v14 =	vadd.f32 v17, v16;
	v16 =	vmul.f32 v22, v21  }
0xbd: {  	v17 =	vld [tilespmem:s26+$0xFFFFFFD0];
	v11 =	vadd.f32 v11, v13  }
0xbe: {  	v7 =	vmul.f32 v8, v7;
	v8 =	vld [tilespmem:s24+$0xFFFFFFE0];
	v13 =	vadd.f32 v16, v14;
	v14 =	vmul.f32 v15, v23  }
0xbf: {  	v15 =	vld [tilespmem:s26+$0xFFFFFFE0];
	v9 =	vadd.f32 v9, v11  }
0xc0: {  	v12 =	vmul.f32 v12, v18;
	v11 =	vadd.f32 v14, v13;
	v13 =	vld [tilespmem:s26+$0xFFFFFFF0]  }
0xc1: {  	s30 =	sadd.s32 $0x100, s24;
	v6 =	vmul.f32 v6, v2;
	v7 =	vadd.f32 v7, v9;
	v9 =	vld [tilespmem:s24+$0xFFFFFFF0]  }
0xc2: {  	v24 =	vld [tilespmem:s30+$0x10];
	v10 =	vmul.f32 v10, v17;
	v11 =	vadd.f32 v12, v11  }
0xc3: {  	s29 =	sadd.s32 $0x100, s26;
	v25 =	vld [tilespmem:s30+$0xFFFFFF90];
	v6 =	vadd.f32 v6, v7;
	v7 =	vmul.f32 v3, v1  }
0xc4: {  	v2 =	vld [tilespmem:s29+$0x70];
	v8 =	vmul.f32 v8, v15;
	v10 =	vadd.f32 v10, v11  }
0xc5: {  	v4 =	vmul.f32 v5, v4;
	v5 =	vld [tilespmem:s30+$0x60];
	v7 =	vadd.f32 v7, v6  }
0xc6: {  	v19 =	vld [tilespmem:s29+$0x0];
	v10 =	vadd.f32 v8, v10;
	v9 =	vmul.f32 v9, v13  }
0xc7: {  	v20 =	vld [tilespmem:s30+$0x0];
	v4 =	vadd.f32 v4, v7  }
0xc8: {  	v22 =	vld [tilespmem:s29+$0x10];
	v11 =	vadd.f32 v9, v10  }
0xc9: {  	v21 =	vld [tilespmem:s30+$0xFFFFFF80];
	(xrf2) =	vadd.scan.msk.f32 $0xffff, v4  }
0xca: {  	v18 =	vld [tilespmem:s29+$0xFFFFFF80];
	(xrf2) =	vadd.scan.msk.f32 $0xffff, v11  }
0xcb: {  	v23 =	vld [tilespmem:s29+$0xFFFFFF90]  }
0xcc: {  	v14 =	vld [tilespmem:s30+$0x20]  }
0xcd: {  	v1 =	vld [tilespmem:s30+$0x70]  }
0xce: {  	v3 =	vld [tilespmem:s29+$0x60]  }
0xcf: {  	v6 =	vld [tilespmem:s29+$0x50]  }
0xd0: {  	v8 =	vld [tilespmem:s29+$0x40]  }
0xd1: {  	v13 =	vld [tilespmem:s29+$0x20]  }
0xd2: {  	v7 =	vld [tilespmem:s30+$0x50]  }
0xd3: {  	v9 =	vld [tilespmem:s30+$0x40];
	v12, _, _ =	vpop (xrf2)  }
0xd4: {  	s11 =	simm.s32 $0x1;
	v16 =	vmov s25;
	v10 =	vld [tilespmem:s29+$0x30];
	v15, _, _ =	vpop (xrf2)  }
0xd5: {  	s1 =	simm.s32 $0x2;
	s0 =	simm.s32 $0x4;
	v17 =	vmov s11;
	v4 =	vimm.f32 $0.0e+00;
	v11 =	vld [tilespmem:s30+$0x30];
	v15 =	vbroadcast v15, $0xF  }
.LBB2_8:
0xd6: {  	p0 =	sne.s32 s0, $0xE;
	v26 =	vld [tilespmem:s29+$0xFFFFFFA0];
	vm0 =	veq.s32 v16, v0;
	vm1 =	veq.s32 v17, v0;
	v12 =	vbroadcast v12, $0xF  }
0xd7: {  	v17 =	vmul.f32 v20, v19;
	v19 =	vmul.f32 v24, v22;
	v16 =	vld [tilespmem:s30+$0xFFFFFFA0];
	v4 =	vsel vm0, v15, v4  }
0xd8: {  	v15 =	vld [tilespmem:s29+$0xFFFFFFB0];
	v4 =	vsel vm1, v12, v4  }
0xd9: {  	v13 =	vmul.f32 v14, v13;
	v17 =	vadd.f32 v19, v17;
	v12 =	vld [tilespmem:s30+$0xFFFFFFB0]  }
0xda: {  	v14 =	vmul.f32 v21, v18;
	v18 =	vmul.f32 v25, v23;
	v19 =	vld [tilespmem:s29+$0xFFFFFFC0]  }
0xdb: {  	v10 =	vmul.f32 v11, v10;
	v13 =	vadd.f32 v13, v17;
	v20 =	vld [tilespmem:s30+$0xFFFFFFC0]  }
0xdc: {  	v11 =	vadd.f32 v18, v14;
	v14 =	vmul.f32 v16, v26;
	v16 =	vld [tilespmem:s29+$0xFFFFFFD0]  }
0xdd: {  	v8 =	vmul.f32 v9, v8;
	v10 =	vadd.f32 v10, v13;
	v17 =	vld [tilespmem:s30+$0xFFFFFFD0]  }
0xde: {  	v9 =	vadd.f32 v14, v11;
	v11 =	vmul.f32 v12, v15;
	v12 =	vld [tilespmem:s29+$0xFFFFFFE0]  }
0xdf: {  	v6 =	vmul.f32 v7, v6;
	v8 =	vadd.f32 v8, v10;
	v13 =	vld [tilespmem:s30+$0xFFFFFFE0]  }
0xe0: {  	v7 =	vadd.f32 v11, v9;
	v9 =	vmul.f32 v20, v19;
	v10 =	vld [tilespmem:s29+$0xFFFFFFF0]  }
0xe1: {  	v3 =	vmul.f32 v5, v3;
	v6 =	vadd.f32 v6, v8;
	s29 =	sadd.s32 $0x100, s29;
	v11 =	vld [tilespmem:s30+$0xFFFFFFF0]  }
0xe2: {  	s30 =	sadd.s32 $0x100, s30;
	v8 =	vld [tilespmem:s29+$0x70];
	v5 =	vadd.f32 v9, v7;
	v7 =	vmul.f32 v17, v16  }
0xe3: {  	v2 =	vmul.f32 v1, v2;
	v6 =	vadd.f32 v3, v6;
	v1 =	vld [tilespmem:s30+$0x70]  }
0xe4: {  	v3 =	vld [tilespmem:s29+$0x60];
	v7 =	vadd.f32 v7, v5;
	v9 =	vmul.f32 v13, v12  }
0xe5: {  	v12 =	vadd.f32 v2, v6;
	v5 =	vld [tilespmem:s30+$0x60]  }
0xe6: {  	v6 =	vld [tilespmem:s29+$0x50];
	v9 =	vadd.f32 v9, v7;
	v10 =	vmul.f32 v11, v10  }
0xe7: {  	v7 =	vld [tilespmem:s30+$0x50];
	(xrf2) =	vadd.scan.msk.f32 $0xffff, v12;
	v2 =	vmov v8  }
0xe8: {  	v8 =	vld [tilespmem:s29+$0x40];
	v11 =	vadd.f32 v10, v9  }
0xe9: {  	v9 =	vld [tilespmem:s30+$0x40]  }
0xea: {  	v10 =	vld [tilespmem:s29+$0x30];
	(xrf2) =	vadd.scan.msk.f32 $0xffff, v11  }
0xeb: {  	v11 =	vld [tilespmem:s30+$0x30]  }
0xec: {  	v13 =	vld [tilespmem:s29+$0x20]  }
0xed: {  	v14 =	vld [tilespmem:s30+$0x20]  }
0xee: {  	v19 =	vld [tilespmem:s29+$0x0]  }
0xef: {  	v20 =	vld [tilespmem:s30+$0x0]  }
0xf0: {  	v22 =	vld [tilespmem:s29+$0x10]  }
.Ltmp2:
0xf1: {  	v24 =	vld [tilespmem:s30+$0x10];
	v12, _, _ =	vpop (xrf2);
	(pc) =	sbr.rel @p0 .LBB2_8-.Ltmp2, $4  }
0xf2: {  	v18 =	vld [tilespmem:s29+$0xFFFFFF80]  }
0xf3: {  	v21 =	vld [tilespmem:s30+$0xFFFFFF80]  }
0xf4: {  	s11 =	sadd.s32 $0x1, s1;
	v23 =	vld [tilespmem:s29+$0xFFFFFF90];
	v15, _, _ =	vpop (xrf2)  }
0xf5: {  	v16 =	vmov s1;
	v17 =	vmov s11;
	s1 =	smov.u32 s0;
	s0 =	sadd.s32 $0x2, s0;
	v25 =	vld [tilespmem:s30+$0xFFFFFF90];
	v15 =	vbroadcast v15, $0xF  }
0xf6: {  	v26 =	vld [tilespmem:s29+$0xFFFFFFA0]  }
0xf7: {  	v27 =	vld [tilespmem:s30+$0xFFFFFFA0]  }
0xf8: {  	v28 =	vld [tilespmem:s29+$0xFFFFFFB0]  }
0xf9: {  	v19 =	vmul.f32 v20, v19;
	v44 =	vmul.f32 v24, v22;
	v45 =	vld [tilespmem:s30+$0xFFFFFFB0]  }
0xfa: {  	v47 =	vld [tilespmem:s29+$0xFFFFFFC0];
	v18 =	vmul.f32 v21, v18;
	v46 =	vmul.f32 v25, v23  }
0xfb: {  	v13 =	vmul.f32 v14, v13;
	v48 =	vld [tilespmem:s30+$0xFFFFFFC0];
	v19 =	vadd.f32 v44, v19  }
0xfc: {  	v50 =	vld [tilespmem:s29+$0xFFFFFFD0];
	v49 =	vmul.f32 v27, v26;
	v18 =	vadd.f32 v46, v18  }
0xfd: {  	v10 =	vmul.f32 v11, v10;
	v51 =	vld [tilespmem:s30+$0xFFFFFFD0];
	v13 =	vadd.f32 v13, v19  }
0xfe: {  	v53 =	vld [tilespmem:s29+$0xFFFFFFE0];
	v52 =	vmul.f32 v45, v28;
	v18 =	vadd.f32 v49, v18  }
0xff: {  	v8 =	vmul.f32 v9, v8;
	v54 =	vld [tilespmem:s30+$0xFFFFFFE0];
	v10 =	vadd.f32 v10, v13  }
0x100: {  	v56 =	vld [tilespmem:s29+$0xFFFFFFF0];
	v14 =	vmul.f32 v48, v47;
	v55 =	vadd.f32 v52, v18  }
0x101: {  	v6 =	vmul.f32 v7, v6;
	v57 =	vld [tilespmem:s30+$0xFFFFFFF0];
	v8 =	vadd.f32 v8, v10  }
0x102: {  	v11 =	vmul.f32 v51, v50;
	v58 =	vadd.f32 v14, v55  }
0x103: {  	v3 =	vmul.f32 v5, v3;
	v6 =	vadd.f32 v6, v8  }
0x104: {  	v60 =	vmul.f32 v54, v53;
	v59 =	vadd.f32 v11, v58  }
0x105: {  	v1 =	vmul.f32 v1, v2;
	v3 =	vadd.f32 v3, v6  }
0x106: {  	v61 =	vmul.f32 v57, v56;
	v2 =	vadd.f32 v60, v59  }
0x107: {  	v1 =	vadd.f32 v1, v3  }
0x108: {  	v2 =	vadd.f32 v61, v2  }
0x109: {  	(xrf2) =	vadd.scan.msk.f32 $0xffff, v1  }
0x10a: {  	(xrf2) =	vadd.scan.msk.f32 $0xffff, v2;
	_ =	sdelay $0x8  }
0x10b: {  	vm0 =	veq.s32 v16, v0;
	s31 =	sshll.u32 s28, $0x4;
	s28 =	sadd.s32 $0x1, s28;
	v1 =	vbroadcast v12, $0xF;
	v2, _, _ =	vpop (xrf2)  }
0x10c: {  	vm1 =	veq.s32 v17, v0;
	p0 =	sne.s32 s28, $0x5;
	v3 =	vsel vm0, v15, v4;
	v62, _, _ =	vpop (xrf2)  }
.Ltmp3:
0x10d: {  	s0 =	sadd.s32 $0x1, s1;
	v1 =	vsel vm1, v1, v3;
	v3 =	vmov s1;
	v4 =	vbroadcast v62, $0xF;
	(pc) =	sbr.rel @p0 .LBB2_7-.Ltmp3, $4  }
0x10e: {  	v63 =	vmov s0;
	vm14 =	veq.s32 v3, v0;
	v2 =	vbroadcast v2, $0xF  }
0x10f: {  	vm15 =	veq.s32 v63, v0;
	v1 =	vsel vm14, v4, v1  }
0x110: {  	s0 =	sand.u32 $0x3FFFFFF0, s31;
	v1 =	vsel vm15, v2, v1  }
0x111: {  	s24 =	sadd.s32 $0x800, s24;
	s26 =	sadd.s32 $0x800, s26;
	[tilespmem:s0+$0xEF80] =	vst v1  }
0x112: {  	s0 =	sadd.s32 s4, s23;
	s22 =	sadd.s32 $0x1, s22  }
0x113: {  	s0 =	sshrl.u32 s0, $0x3;
	p0 =	sne.s32 s22, $0x3E  }
.Ltmp4:
0x114: {  	s0 =	sadd.s32 s5, s0;
	(pc) =	sbr.rel @p0 .LBB2_2-.Ltmp4, $4  }
0x115: {  	[hbm4b:s0+s3] =	stream.linear.scatter [tilespmem:s20], [sflag:$0x3], $0x50, $0x38;
	[tilespmem:$0xF000] =	vst v63  }
0x116: {  	_ =	swait.ge [sflag:s10], $0x50  }
0x117: {  	[sflag:s10] =	ssyncset.done $0x0  }
0x118: {  	[sflag:s10] =	ssyncadd.s32 $0xFFFFFFB0  }
0x119: {  	_ =	swait.ge [sflag:s17], $0x2800  }
0x11a: {  	[sflag:s17] =	ssyncset.done $0x0  }
0x11b: {  	[sflag:s17] =	ssyncadd.s32 $0xFFFFD800  }
0x11c: {  	_ =	swait.ge [sflag:s17], $0x2800  }
0x11d: {  	s22 =	simm.s32 $0x0;
	s23 =	simm.s32 $0x7780;
	[sflag:s17] =	ssyncset.done $0x0  }
0x11e: {  	s24 =	simm.s32 $0x4F80;
	s25 =	simm.s32 $0x0;
	[sflag:s17] =	ssyncadd.s32 $0xFFFFD800  }
.LBB2_12:
0x11f: {  	v4 =	vld [tilespmem:s24+$0x70]  }
0x120: {  	v5 =	vld [tilespmem:s23+$0x70]  }
0x121: {  	v1 =	vld [tilespmem:s24+$0x60]  }
0x122: {  	v3 =	vld [tilespmem:s23+$0x60]  }
0x123: {  	v2 =	vld [tilespmem:s24+$0x50]  }
0x124: {  	v6 =	vld [tilespmem:s23+$0x50]  }
0x125: {  	v7 =	vld [tilespmem:s24+$0x40]  }
0x126: {  	v8 =	vld [tilespmem:s23+$0x40]  }
0x127: {  	v9 =	vld [tilespmem:s24+$0x30]  }
0x128: {  	v10 =	vld [tilespmem:s23+$0x30]  }
0x129: {  	v11 =	vld [tilespmem:s24+$0x20]  }
0x12a: {  	v12 =	vld [tilespmem:s23+$0x20]  }
0x12b: {  	v13 =	vld [tilespmem:s24+$0x0]  }
0x12c: {  	v14 =	vld [tilespmem:s23+$0x0]  }
0x12d: {  	v15 =	vld [tilespmem:s24+$0x10]  }
0x12e: {  	v16 =	vld [tilespmem:s23+$0x10]  }
0x12f: {  	v17 =	vld [tilespmem:s24+$0xFFFFFF80]  }
0x130: {  	v18 =	vld [tilespmem:s23+$0xFFFFFF80]  }
0x131: {  	v19 =	vld [tilespmem:s24+$0xFFFFFF90]  }
0x132: {  	v20 =	vld [tilespmem:s23+$0xFFFFFF90]  }
0x133: {  	v21 =	vld [tilespmem:s24+$0xFFFFFFA0]  }
0x134: {  	v22 =	vld [tilespmem:s23+$0xFFFFFFA0]  }
0x135: {  	v23 =	vld [tilespmem:s24+$0xFFFFFFB0]  }
0x136: {  	v13 =	vmul.f32 v14, v13;
	v14 =	vmul.f32 v16, v15;
	v15 =	vld [tilespmem:s23+$0xFFFFFFB0]  }
0x137: {  	v16 =	vmul.f32 v18, v17;
	v17 =	vmul.f32 v20, v19;
	v18 =	vld [tilespmem:s24+$0xFFFFFFC0]  }
0x138: {  	v11 =	vmul.f32 v12, v11;
	v12 =	vld [tilespmem:s23+$0xFFFFFFC0];
	v13 =	vadd.f32 v14, v13  }
0x139: {  	v9 =	vmul.f32 v10, v9;
	v10 =	vld [tilespmem:s23+$0xFFFFFFD0];
	v14 =	vadd.f32 v17, v16;
	v16 =	vmul.f32 v22, v21  }
0x13a: {  	v17 =	vld [tilespmem:s24+$0xFFFFFFD0];
	v11 =	vadd.f32 v11, v13  }
0x13b: {  	v7 =	vmul.f32 v8, v7;
	v8 =	vld [tilespmem:s23+$0xFFFFFFE0];
	v13 =	vadd.f32 v16, v14;
	v14 =	vmul.f32 v15, v23  }
0x13c: {  	v15 =	vld [tilespmem:s24+$0xFFFFFFE0];
	v9 =	vadd.f32 v9, v11  }
0x13d: {  	v12 =	vmul.f32 v12, v18;
	v11 =	vadd.f32 v14, v13;
	v13 =	vld [tilespmem:s24+$0xFFFFFFF0]  }
0x13e: {  	s28 =	sadd.s32 $0x100, s23;
	v6 =	vmul.f32 v6, v2;
	v7 =	vadd.f32 v7, v9;
	v9 =	vld [tilespmem:s23+$0xFFFFFFF0]  }
0x13f: {  	v24 =	vld [tilespmem:s28+$0x10];
	v10 =	vmul.f32 v10, v17;
	v11 =	vadd.f32 v12, v11  }
0x140: {  	s26 =	sadd.s32 $0x100, s24;
	v25 =	vld [tilespmem:s28+$0xFFFFFF90];
	v6 =	vadd.f32 v6, v7;
	v7 =	vmul.f32 v3, v1  }
0x141: {  	v2 =	vld [tilespmem:s26+$0x70];
	v8 =	vmul.f32 v8, v15;
	v10 =	vadd.f32 v10, v11  }
0x142: {  	v4 =	vmul.f32 v5, v4;
	v5 =	vld [tilespmem:s28+$0x60];
	v7 =	vadd.f32 v7, v6  }
0x143: {  	v19 =	vld [tilespmem:s26+$0x0];
	v10 =	vadd.f32 v8, v10;
	v9 =	vmul.f32 v9, v13  }
0x144: {  	v20 =	vld [tilespmem:s28+$0x0];
	v4 =	vadd.f32 v4, v7  }
0x145: {  	v22 =	vld [tilespmem:s26+$0x10];
	v11 =	vadd.f32 v9, v10  }
0x146: {  	v21 =	vld [tilespmem:s28+$0xFFFFFF80];
	(xrf2) =	vadd.scan.msk.f32 $0xffff, v4  }
0x147: {  	v18 =	vld [tilespmem:s26+$0xFFFFFF80];
	(xrf2) =	vadd.scan.msk.f32 $0xffff, v11  }
0x148: {  	v23 =	vld [tilespmem:s26+$0xFFFFFF90]  }
0x149: {  	v14 =	vld [tilespmem:s28+$0x20]  }
0x14a: {  	v1 =	vld [tilespmem:s28+$0x70]  }
0x14b: {  	v3 =	vld [tilespmem:s26+$0x60]  }
0x14c: {  	v6 =	vld [tilespmem:s26+$0x50]  }
0x14d: {  	v8 =	vld [tilespmem:s26+$0x40]  }
0x14e: {  	v13 =	vld [tilespmem:s26+$0x20]  }
0x14f: {  	v7 =	vld [tilespmem:s28+$0x50]  }
0x150: {  	v9 =	vld [tilespmem:s28+$0x40];
	v12, _, _ =	vpop (xrf2)  }
0x151: {  	s11 =	simm.s32 $0x1;
	v16 =	vmov s22;
	v10 =	vld [tilespmem:s26+$0x30];
	v15, _, _ =	vpop (xrf2)  }
0x152: {  	s1 =	simm.s32 $0x2;
	s0 =	simm.s32 $0x4;
	v17 =	vmov s11;
	v4 =	vimm.f32 $0.0e+00;
	v11 =	vld [tilespmem:s28+$0x30];
	v15 =	vbroadcast v15, $0xF  }
.LBB2_13:
0x153: {  	p0 =	sne.s32 s0, $0xE;
	v26 =	vld [tilespmem:s26+$0xFFFFFFA0];
	vm0 =	veq.s32 v16, v0;
	vm1 =	veq.s32 v17, v0;
	v12 =	vbroadcast v12, $0xF  }
0x154: {  	v17 =	vmul.f32 v20, v19;
	v19 =	vmul.f32 v24, v22;
	v16 =	vld [tilespmem:s28+$0xFFFFFFA0];
	v4 =	vsel vm0, v15, v4  }
0x155: {  	v15 =	vld [tilespmem:s26+$0xFFFFFFB0];
	v4 =	vsel vm1, v12, v4  }
0x156: {  	v13 =	vmul.f32 v14, v13;
	v17 =	vadd.f32 v19, v17;
	v12 =	vld [tilespmem:s28+$0xFFFFFFB0]  }
0x157: {  	v14 =	vmul.f32 v21, v18;
	v18 =	vmul.f32 v25, v23;
	v19 =	vld [tilespmem:s26+$0xFFFFFFC0]  }
0x158: {  	v10 =	vmul.f32 v11, v10;
	v13 =	vadd.f32 v13, v17;
	v20 =	vld [tilespmem:s28+$0xFFFFFFC0]  }
0x159: {  	v11 =	vadd.f32 v18, v14;
	v14 =	vmul.f32 v16, v26;
	v16 =	vld [tilespmem:s26+$0xFFFFFFD0]  }
0x15a: {  	v8 =	vmul.f32 v9, v8;
	v10 =	vadd.f32 v10, v13;
	v17 =	vld [tilespmem:s28+$0xFFFFFFD0]  }
0x15b: {  	v9 =	vadd.f32 v14, v11;
	v11 =	vmul.f32 v12, v15;
	v12 =	vld [tilespmem:s26+$0xFFFFFFE0]  }
0x15c: {  	v6 =	vmul.f32 v7, v6;
	v8 =	vadd.f32 v8, v10;
	v13 =	vld [tilespmem:s28+$0xFFFFFFE0]  }
0x15d: {  	v7 =	vadd.f32 v11, v9;
	v9 =	vmul.f32 v20, v19;
	v10 =	vld [tilespmem:s26+$0xFFFFFFF0]  }
0x15e: {  	v3 =	vmul.f32 v5, v3;
	v6 =	vadd.f32 v6, v8;
	s26 =	sadd.s32 $0x100, s26;
	v11 =	vld [tilespmem:s28+$0xFFFFFFF0]  }
0x15f: {  	s28 =	sadd.s32 $0x100, s28;
	v8 =	vld [tilespmem:s26+$0x70];
	v5 =	vadd.f32 v9, v7;
	v7 =	vmul.f32 v17, v16  }
0x160: {  	v2 =	vmul.f32 v1, v2;
	v6 =	vadd.f32 v3, v6;
	v1 =	vld [tilespmem:s28+$0x70]  }
0x161: {  	v3 =	vld [tilespmem:s26+$0x60];
	v7 =	vadd.f32 v7, v5;
	v9 =	vmul.f32 v13, v12  }
0x162: {  	v12 =	vadd.f32 v2, v6;
	v5 =	vld [tilespmem:s28+$0x60]  }
0x163: {  	v6 =	vld [tilespmem:s26+$0x50];
	v9 =	vadd.f32 v9, v7;
	v10 =	vmul.f32 v11, v10  }
0x164: {  	v7 =	vld [tilespmem:s28+$0x50];
	(xrf2) =	vadd.scan.msk.f32 $0xffff, v12;
	v2 =	vmov v8  }
0x165: {  	v8 =	vld [tilespmem:s26+$0x40];
	v11 =	vadd.f32 v10, v9  }
0x166: {  	v9 =	vld [tilespmem:s28+$0x40]  }
0x167: {  	v10 =	vld [tilespmem:s26+$0x30];
	(xrf2) =	vadd.scan.msk.f32 $0xffff, v11  }
0x168: {  	v11 =	vld [tilespmem:s28+$0x30]  }
0x169: {  	v13 =	vld [tilespmem:s26+$0x20]  }
0x16a: {  	v14 =	vld [tilespmem:s28+$0x20]  }
0x16b: {  	v19 =	vld [tilespmem:s26+$0x0]  }
0x16c: {  	v20 =	vld [tilespmem:s28+$0x0]  }
0x16d: {  	v22 =	vld [tilespmem:s26+$0x10]  }
.Ltmp5:
0x16e: {  	v24 =	vld [tilespmem:s28+$0x10];
	v12, _, _ =	vpop (xrf2);
	(pc) =	sbr.rel @p0 .LBB2_13-.Ltmp5, $4  }
0x16f: {  	v18 =	vld [tilespmem:s26+$0xFFFFFF80]  }
0x170: {  	v21 =	vld [tilespmem:s28+$0xFFFFFF80]  }
0x171: {  	s11 =	sadd.s32 $0x1, s1;
	v23 =	vld [tilespmem:s26+$0xFFFFFF90];
	v15, _, _ =	vpop (xrf2)  }
0x172: {  	v16 =	vmov s1;
	v17 =	vmov s11;
	s1 =	smov.u32 s0;
	s0 =	sadd.s32 $0x2, s0;
	v25 =	vld [tilespmem:s28+$0xFFFFFF90];
	v15 =	vbroadcast v15, $0xF  }
0x173: {  	v26 =	vld [tilespmem:s26+$0xFFFFFFA0]  }
0x174: {  	v27 =	vld [tilespmem:s28+$0xFFFFFFA0]  }
0x175: {  	v28 =	vld [tilespmem:s26+$0xFFFFFFB0]  }
0x176: {  	v19 =	vmul.f32 v20, v19;
	v44 =	vmul.f32 v24, v22;
	v45 =	vld [tilespmem:s28+$0xFFFFFFB0]  }
0x177: {  	v47 =	vld [tilespmem:s26+$0xFFFFFFC0];
	v18 =	vmul.f32 v21, v18;
	v46 =	vmul.f32 v25, v23  }
0x178: {  	v13 =	vmul.f32 v14, v13;
	v48 =	vld [tilespmem:s28+$0xFFFFFFC0];
	v19 =	vadd.f32 v44, v19  }
0x179: {  	v50 =	vld [tilespmem:s26+$0xFFFFFFD0];
	v49 =	vmul.f32 v27, v26;
	v18 =	vadd.f32 v46, v18  }
0x17a: {  	v10 =	vmul.f32 v11, v10;
	v51 =	vld [tilespmem:s28+$0xFFFFFFD0];
	v13 =	vadd.f32 v13, v19  }
0x17b: {  	v53 =	vld [tilespmem:s26+$0xFFFFFFE0];
	v52 =	vmul.f32 v45, v28;
	v18 =	vadd.f32 v49, v18  }
0x17c: {  	v8 =	vmul.f32 v9, v8;
	v54 =	vld [tilespmem:s28+$0xFFFFFFE0];
	v10 =	vadd.f32 v10, v13  }
0x17d: {  	v56 =	vld [tilespmem:s26+$0xFFFFFFF0];
	v14 =	vmul.f32 v48, v47;
	v55 =	vadd.f32 v52, v18  }
0x17e: {  	v6 =	vmul.f32 v7, v6;
	v57 =	vld [tilespmem:s28+$0xFFFFFFF0];
	v8 =	vadd.f32 v8, v10  }
0x17f: {  	v11 =	vmul.f32 v51, v50;
	v58 =	vadd.f32 v14, v55  }
0x180: {  	v3 =	vmul.f32 v5, v3;
	v6 =	vadd.f32 v6, v8  }
0x181: {  	v60 =	vmul.f32 v54, v53;
	v59 =	vadd.f32 v11, v58  }
0x182: {  	v1 =	vmul.f32 v1, v2;
	v3 =	vadd.f32 v3, v6  }
0x183: {  	v61 =	vmul.f32 v57, v56;
	v2 =	vadd.f32 v60, v59  }
0x184: {  	v1 =	vadd.f32 v1, v3  }
0x185: {  	v2 =	vadd.f32 v61, v2  }
0x186: {  	(xrf2) =	vadd.scan.msk.f32 $0xffff, v1  }
0x187: {  	(xrf2) =	vadd.scan.msk.f32 $0xffff, v2;
	_ =	sdelay $0x8  }
0x188: {  	vm0 =	veq.s32 v16, v0;
	s31 =	sshll.u32 s25, $0x4;
	s25 =	sadd.s32 $0x1, s25;
	v1 =	vbroadcast v12, $0xF;
	v2, _, _ =	vpop (xrf2)  }
0x189: {  	vm1 =	veq.s32 v17, v0;
	p0 =	sne.s32 s25, $0x5;
	v3 =	vsel vm0, v15, v4;
	v62, _, _ =	vpop (xrf2)  }
.Ltmp6:
0x18a: {  	s0 =	sadd.s32 $0x1, s1;
	v1 =	vsel vm1, v1, v3;
	v3 =	vmov s1;
	v4 =	vbroadcast v62, $0xF;
	(pc) =	sbr.rel @p0 .LBB2_12-.Ltmp6, $4  }
0x18b: {  	v63 =	vmov s0;
	vm14 =	veq.s32 v3, v0;
	v2 =	vbroadcast v2, $0xF  }
0x18c: {  	vm15 =	veq.s32 v63, v0;
	v1 =	vsel vm14, v4, v1  }
0x18d: {  	s0 =	sand.u32 $0x3FFFFFF0, s31;
	v1 =	vsel vm15, v2, v1  }
0x18e: {  	s23 =	sadd.s32 $0x800, s23;
	s24 =	sadd.s32 $0x800, s24;
	[tilespmem:s0+$0xEF00] =	vst v1  }
0x18f: {  	s21 =	sadd.s32 $0x1, s21  }
0x190: {  	p0 =	sne.s32 s21, s9  }
.Ltmp7:
0x191: {  	_ = 	snop;
	(pc) =	sbr.rel @p0 .LBB2_1-.Ltmp7, $4  }
0x192: {  	[hbm4b:s8+s3] =	stream.linear.scatter [tilespmem:s18], [sflag:$0x3], $0x50, $0x38;
	[tilespmem:$0xF000] =	vst v63  }
0x193: {  	_ =	swait.ge [sflag:s10], $0x50  }
0x194: {  	[sflag:s10] =	ssyncset.done $0x0  }
0x195: {  	[sflag:s10] =	ssyncadd.s32 $0xFFFFFFB0  }
0x196: {  	_ =	sfence.sel $0x180000  }
0x197: {  	[bflag:$0x0] =	sbarrier.arrive $0xFFFF  }
0x198: {  	_ =	strace $0x90000047  }
0x199: {  	s0 =	stileid.u32;
	[bflag:$0x2] =	sbarrier.arrive $0xFFFF  }
0x19a: {  	p0 =	sne.s32 s0, $0x0;
	s0 =	rddreg [dreg:$0x2]  }
0x19b: {  	s0 =	sadd.s32 @!p0 $0x100000, s0  }
0x19c: {  	[sflag:s0] =	ssyncadd.tile.s32 @!p0 $0x1;
	_ =	shalt  }
.Lfunc_end2:
_tile_overlayer_lowered:
.L_overlay_start_2:
0x19d: {  	(tag) =	ssettag $0x2  }
0x19e: {  	s0 =	rddreg [dreg:$0x0];
	s2 =	stileid.u32  }
0x19f: {  	s1 =	rddreg [dreg:$0x1];
	p0 =	sne.s32 s2, $0x0  }
0x1a0: {  	s3 =	rddreg [dreg:$0x2];
	[bflag:$0x3] =	sbarrier.arrive $0xFFFF;
	s2 =	simm.s32 @!p0 $0x1C03  }
0x1a1: {  	[timem:s3], [sflag:s2] =	dma.local @!p0 [hbm:s0], s1  }
0x1a2: {  	s0 =	simm.s32 @!p0 $0x3  }
0x1a3: {  	_ =	swait.ge @!p0 [sflag:s0], s1  }
0x1a4: {  	s1 =	ssub.s32 @!p0 $0x0, s1;
	[sflag:s0] =	ssyncset.done @!p0 $0x0  }
0x1a5: {  	[sflag:s0] =	ssyncadd.s32 @!p0 s1  }
0x1a6: {  	[bflag:$0x3] =	sbarrier.arrive $0xFFFF  }
0x1a7: {  	_ =	shalt  }

</sc_bundles>
